<compile_context>
chip_gen: v7x
topology: tpu7x:2x2x1
jax: 0.10.2.dev20260603
libtpu: 0.0.44.dev20260713+nightly
codegen_flags: <defaults>
</compile_context>

<pallas_src>
import functools

import jax
import jax.numpy as jnp
from jax import lax
from jax.experimental import pallas as pl
from jax.experimental.pallas import tpu as pltpu
from jax.experimental.pallas import tpu_sc as plsc

_NC = 2
_NS = 16
_NW = _NC * _NS
_L = 16
_CH = 128


@functools.lru_cache(maxsize=None)
def _build(B, S2, A, N):
    b_per_w = B // _NW
    nch = b_per_w // _CH
    mesh = plsc.VectorSubcoreMesh(core_axis_name="c", subcore_axis_name="s")

    @functools.partial(
        pl.kernel,
        mesh=mesh,
        out_type=jax.ShapeDtypeStruct((B,), jnp.float32),
        scratch_types=[
            pltpu.VMEM((b_per_w,), jnp.int32),
            pltpu.VMEM((b_per_w,), jnp.int32),
            pltpu.VMEM((b_per_w,), jnp.int32),
            pltpu.VMEM((nch, _CH), jnp.int32),
            pltpu.VMEM((b_per_w,), jnp.float32),
            pltpu.SemaphoreType.DMA,
            pltpu.SemaphoreType.DMA,
        ],
    )
    def gather_kernel(tab_hbm, ns_hbm, os_hbm, ac_hbm, out_hbm,
                      ns_v, os_v, ac_v, idx_v, val_v, sem_in, sem_g):
        wid = lax.axis_index("s") * _NC + lax.axis_index("c")
        base = wid * b_per_w

        with jax.named_scope("ph_in"):
            in_copies = [
                pltpu.async_copy(src.at[pl.ds(base, b_per_w)], dst, sem_in)
                for src, dst in ((ns_hbm, ns_v), (os_hbm, os_v), (ac_hbm, ac_v))
            ]
            for c in in_copies:
                c.wait()

        gathers = []
        _scope_cmp = jax.named_scope("ph_cmp")
        _scope_cmp.__enter__()
        for j in range(nch):
            for k in range(_CH // _L):
                sl = pl.ds(j * _CH + k * _L, _L)
                ns = ns_v[sl]
                os_ = os_v[sl]
                ac = ac_v[sl]
                flat = (lax.shift_left(ns, 15)
                        | lax.shift_left(lax.shift_right_logical(ac, 3), 14)
                        | lax.shift_left(lax.shift_right_logical(os_, 7), 10)
                        | lax.shift_left(ac & 7, 7)
                        | (os_ & 127))
                idx_v[j, pl.ds(k * _L, _L)] = flat
            gathers.append(
                pltpu.async_copy(tab_hbm.at[idx_v.at[j]],
                                 val_v.at[pl.ds(j * _CH, _CH)], sem_g))
        _scope_cmp.__exit__(None, None, None)
        with jax.named_scope("ph_drain"):
            outs = []
            for j in range(nch):
                gathers[j].wait()
                outs.append(
                    pltpu.async_copy(val_v.at[pl.ds(j * _CH, _CH)],
                                     out_hbm.at[pl.ds(base + j * _CH, _CH)],
                                     sem_in))
            for o in outs:
                o.wait()

    return gather_kernel


def kernel(newState, oldState, action, transitionMatrix):
    S, S2, A = transitionMatrix.shape
    B = newState.shape[0]
    t5 = transitionMatrix.reshape(S, S2 // 128, 128, A // 8, 8)
    flat_tab = t5.transpose(0, 3, 1, 4, 2).reshape(S * S2 * A)
    ns = newState.astype(jnp.int32)
    os_ = oldState.astype(jnp.int32)
    ac = action.astype(jnp.int32)
    return _build(B, S2, A, S * S2 * A)(flat_tab, ns, os_, ac)

# --- scband reference (transcript-rebuilt; emitter-appended) ---
"""Pipeline reference for scband-tabular-transition-model-84593675862537 (READ-ONLY COPY).

The authoritative reference and input builder live on the scoring server;
editing this copy changes nothing except your own understanding.
"""

import jax, jax.numpy as jnp
import numpy as np

S = 2048
A = 16
B = 16384

def setup_inputs(seed: int = 0) -> dict:
    key = jax.random.key(seed)
    k1, k2, k3, k4 = jax.random.split(key, 4)
    transitionMatrix = jax.random.normal(k1, (S, S, A), dtype=jnp.float32)
    newState = jax.random.randint(k2, (B,), 0, S, dtype=jnp.int64) if jax.config.jax_enable_x64 else jax.random.randint(k2, (B,), 0, S, dtype=jnp.int32)
    oldState = jax.random.randint(k3, (B,), 0, S, dtype=newState.dtype)
    action = jax.random.randint(k4, (B,), 0, A, dtype=newState.dtype)
    return {"newState": newState, "oldState": oldState, "action": action, "transitionMatrix": transitionMatrix}

def reference(newState, oldState, action, transitionMatrix):
    # TabularTransitionModel.__call__: T(s', s, a) = transitionMatrix[newState, oldState, action]
    # advanced integer indexing == vectorized 3-way gather
    return transitionMatrix[newState, oldState, action]

if __name__ == "__main__":
    import jax
    _d = setup_inputs()
    print(jax.jit(kernel)(*tuple(_d.values())))

</pallas_src>

<mosaic_0001>
#map = affine_map<(d0, d1) -> (0)>
module attributes {stable_mosaic.version = 14 : i64} {
  func.func @gather_kernel(%arg0: i32, %arg1: i32, %arg2: memref<67108864xf32, #tpu.memory_space<hbm>>, %arg3: memref<16384xi32, #tpu.memory_space<hbm>>, %arg4: memref<16384xi32, #tpu.memory_space<hbm>>, %arg5: memref<16384xi32, #tpu.memory_space<hbm>>, %arg6: memref<16384xf32, #tpu.memory_space<hbm>>, %arg7: memref<512xi32, #tpu.memory_space<vmem>>, %arg8: memref<512xi32, #tpu.memory_space<vmem>>, %arg9: memref<512xi32, #tpu.memory_space<vmem>>, %arg10: memref<4x128xi32, #tpu.memory_space<vmem>>, %arg11: memref<512xf32, #tpu.memory_space<vmem>>, %arg12: memref<!tpu.dma_semaphore, #tpu.memory_space<semaphore_mem>>, %arg13: memref<!tpu.dma_semaphore, #tpu.memory_space<semaphore_mem>>) attributes {dimension_semantics = [#tpu.dimension_semantics<core_parallel>, #tpu.dimension_semantics<subcore_parallel>], iteration_bounds = array<i64: 2, 16>, scalar_prefetch = 0 : i64, scratch_operands = 7 : i64, tpu.core_type = #tpu.core_type<sc_vector_subcore>, window_params = [{transform_indices = #map}, {transform_indices = #map}, {transform_indices = #map}, {transform_indices = #map}, {transform_indices = #map}]} {
    %mul3A = arith.constant 2 : i32
    %mul3A_0 = arith.muli %arg1, %mul3A : i32
    %add3A = arith.addi %mul3A_0, %arg0 : i32
    %mul3A_1 = arith.constant 512 : i32
    %mul3A_2 = arith.muli %add3A, %mul3A_1 : i32
    "tpu.trace_start"() <{level = 10 : i32, message = "ph_in"}> : () -> ()
    %dma_start3A = tpu.memref_slice %arg3[%mul3A_2] : memref<16384xi32, #tpu.memory_space<hbm>> -> memref<512xi32, #tpu.memory_space<hbm>>
    %dma_start3A_3 = tpu.memref_slice %arg3[%mul3A_2] : memref<16384xi32, #tpu.memory_space<hbm>> -> memref<512xi32, #tpu.memory_space<hbm>>
    tpu.enqueue_dma source(%dma_start3A_3 : memref<512xi32, #tpu.memory_space<hbm>>) target(%arg7 : memref<512xi32, #tpu.memory_space<vmem>>) target_semaphore(%arg12 : memref<!tpu.dma_semaphore, #tpu.memory_space<semaphore_mem>>)
    %dma_start3A_4 = tpu.memref_slice %arg4[%mul3A_2] : memref<16384xi32, #tpu.memory_space<hbm>> -> memref<512xi32, #tpu.memory_space<hbm>>
    %dma_start3A_5 = tpu.memref_slice %arg4[%mul3A_2] : memref<16384xi32, #tpu.memory_space<hbm>> -> memref<512xi32, #tpu.memory_space<hbm>>
    tpu.enqueue_dma source(%dma_start3A_5 : memref<512xi32, #tpu.memory_space<hbm>>) target(%arg8 : memref<512xi32, #tpu.memory_space<vmem>>) target_semaphore(%arg12 : memref<!tpu.dma_semaphore, #tpu.memory_space<semaphore_mem>>)
    %dma_start3A_6 = tpu.memref_slice %arg5[%mul3A_2] : memref<16384xi32, #tpu.memory_space<hbm>> -> memref<512xi32, #tpu.memory_space<hbm>>
    %dma_start3A_7 = tpu.memref_slice %arg5[%mul3A_2] : memref<16384xi32, #tpu.memory_space<hbm>> -> memref<512xi32, #tpu.memory_space<hbm>>
    tpu.enqueue_dma source(%dma_start3A_7 : memref<512xi32, #tpu.memory_space<hbm>>) target(%arg9 : memref<512xi32, #tpu.memory_space<vmem>>) target_semaphore(%arg12 : memref<!tpu.dma_semaphore, #tpu.memory_space<semaphore_mem>>)
    %dma_wait3A = tpu.memref_slice %arg3[%mul3A_2] : memref<16384xi32, #tpu.memory_space<hbm>> -> memref<512xi32, #tpu.memory_space<hbm>>
    %dma_wait3A_8 = tpu.memref_slice %arg3[%mul3A_2] : memref<16384xi32, #tpu.memory_space<hbm>> -> memref<512xi32, #tpu.memory_space<hbm>>
    tpu.wait_dma2 semaphore(%arg12 : memref<!tpu.dma_semaphore, #tpu.memory_space<semaphore_mem>>) src(%dma_wait3A_8 : memref<512xi32, #tpu.memory_space<hbm>>) dst(%arg7 : memref<512xi32, #tpu.memory_space<vmem>>)
    %dma_wait3A_9 = tpu.memref_slice %arg4[%mul3A_2] : memref<16384xi32, #tpu.memory_space<hbm>> -> memref<512xi32, #tpu.memory_space<hbm>>
    %dma_wait3A_10 = tpu.memref_slice %arg4[%mul3A_2] : memref<16384xi32, #tpu.memory_space<hbm>> -> memref<512xi32, #tpu.memory_space<hbm>>
    tpu.wait_dma2 semaphore(%arg12 : memref<!tpu.dma_semaphore, #tpu.memory_space<semaphore_mem>>) src(%dma_wait3A_10 : memref<512xi32, #tpu.memory_space<hbm>>) dst(%arg8 : memref<512xi32, #tpu.memory_space<vmem>>)
    %dma_wait3A_11 = tpu.memref_slice %arg5[%mul3A_2] : memref<16384xi32, #tpu.memory_space<hbm>> -> memref<512xi32, #tpu.memory_space<hbm>>
    %dma_wait3A_12 = tpu.memref_slice %arg5[%mul3A_2] : memref<16384xi32, #tpu.memory_space<hbm>> -> memref<512xi32, #tpu.memory_space<hbm>>
    tpu.wait_dma2 semaphore(%arg12 : memref<!tpu.dma_semaphore, #tpu.memory_space<semaphore_mem>>) src(%dma_wait3A_12 : memref<512xi32, #tpu.memory_space<hbm>>) dst(%arg9 : memref<512xi32, #tpu.memory_space<vmem>>)
    "tpu.trace_stop"() : () -> ()
    "tpu.trace_start"() <{level = 10 : i32, message = "ph_cmp"}> : () -> ()
    %get3A = arith.constant 0 : index
    %get3A_13 = tpu.vector_load %arg7[%get3A] {strides = array<i32>} : memref<512xi32, #tpu.memory_space<vmem>>, vector<16xi32>,
    %get3A_14 = vector.shape_cast %get3A_13 : vector<16xi32> to vector<16xi32>
    %get3A_15 = arith.constant 0 : index
    %get3A_16 = tpu.vector_load %arg8[%get3A_15] {strides = array<i32>} : memref<512xi32, #tpu.memory_space<vmem>>, vector<16xi32>,
    %get3A_17 = vector.shape_cast %get3A_16 : vector<16xi32> to vector<16xi32>
    %get3A_18 = arith.constant 0 : index
    %get3A_19 = tpu.vector_load %arg9[%get3A_18] {strides = array<i32>} : memref<512xi32, #tpu.memory_space<vmem>>, vector<16xi32>,
    %get3A_20 = vector.shape_cast %get3A_19 : vector<16xi32> to vector<16xi32>
    %shift_left3A = arith.constant 15 : i32
    %shift_left3A_21 = vector.broadcast %shift_left3A : i32 to vector<16xi32>
    %shift_left3A_22 = arith.shli %get3A_14, %shift_left3A_21 : vector<16xi32>
    %shift_right_logical3A = arith.constant 3 : i32
    %shift_right_logical3A_23 = vector.broadcast %shift_right_logical3A : i32 to vector<16xi32>
    %shift_right_logical3A_24 = arith.shrui %get3A_20, %shift_right_logical3A_23 : vector<16xi32>
    %shift_left3A_25 = arith.constant 14 : i32
    %shift_left3A_26 = vector.broadcast %shift_left3A_25 : i32 to vector<16xi32>
    %shift_left3A_27 = arith.shli %shift_right_logical3A_24, %shift_left3A_26 : vector<16xi32>
    %or3A = arith.ori %shift_left3A_22, %shift_left3A_27 : vector<16xi32>
    %shift_right_logical3A_28 = arith.constant 7 : i32
    %shift_right_logical3A_29 = vector.broadcast %shift_right_logical3A_28 : i32 to vector<16xi32>
    %shift_right_logical3A_30 = arith.shrui %get3A_17, %shift_right_logical3A_29 : vector<16xi32>
    %shift_left3A_31 = arith.constant 10 : i32
    %shift_left3A_32 = vector.broadcast %shift_left3A_31 : i32 to vector<16xi32>
    %shift_left3A_33 = arith.shli %shift_right_logical3A_30, %shift_left3A_32 : vector<16xi32>
    %or3A_34 = arith.ori %or3A, %shift_left3A_33 : vector<16xi32>
    %and3A = arith.constant 7 : i32
    %and3A_35 = vector.broadcast %and3A : i32 to vector<16xi32>
    %and3A_36 = arith.andi %get3A_20, %and3A_35 : vector<16xi32>
    %shift_left3A_37 = arith.constant 7 : i32
    %shift_left3A_38 = vector.broadcast %shift_left3A_37 : i32 to vector<16xi32>
    %shift_left3A_39 = arith.shli %and3A_36, %shift_left3A_38 : vector<16xi32>
    %or3A_40 = arith.ori %or3A_34, %shift_left3A_39 : vector<16xi32>
    %and3A_41 = arith.constant 127 : i32
    %and3A_42 = vector.broadcast %and3A_41 : i32 to vector<16xi32>
    %and3A_43 = arith.andi %get3A_17, %and3A_42 : vector<16xi32>
    %or3A_44 = arith.ori %or3A_40, %and3A_43 : vector<16xi32>
    %swap3A = arith.constant 0 : i32
    %swap3A_45 = arith.index_cast %swap3A : i32 to index
    %swap3A_46 = arith.constant 0 : index
    %swap3A_47 = tpu.vector_load %arg10[%swap3A_45, %swap3A_46] {strides = array<i32>} : memref<4x128xi32, #tpu.memory_space<vmem>>, vector<1x16xi32>,
    %swap3A_48 = vector.shape_cast %swap3A_47 : vector<1x16xi32> to vector<16xi32>
    %swap3A_49 = vector.shape_cast %or3A_44 : vector<16xi32> to vector<1x16xi32>
    tpu.vector_store %arg10[%swap3A_45, %swap3A_46], %swap3A_49 {strides = array<i32>} : memref<4x128xi32, #tpu.memory_space<vmem>>, vector<1x16xi32>,
    %get3A_50 = arith.constant 16 : index
    %get3A_51 = tpu.vector_load %arg7[%get3A_50] {strides = array<i32>} : memref<512xi32, #tpu.memory_space<vmem>>, vector<16xi32>,
    %get3A_52 = vector.shape_cast %get3A_51 : vector<16xi32> to vector<16xi32>
    %get3A_53 = arith.constant 16 : index
    %get3A_54 = tpu.vector_load %arg8[%get3A_53] {strides = array<i32>} : memref<512xi32, #tpu.memory_space<vmem>>, vector<16xi32>,
    %get3A_55 = vector.shape_cast %get3A_54 : vector<16xi32> to vector<16xi32>
    %get3A_56 = arith.constant 16 : index
    %get3A_57 = tpu.vector_load %arg9[%get3A_56] {strides = array<i32>} : memref<512xi32, #tpu.memory_space<vmem>>, vector<16xi32>,
    %get3A_58 = vector.shape_cast %get3A_57 : vector<16xi32> to vector<16xi32>
    %shift_left3A_59 = arith.constant 15 : i32
    %shift_left3A_60 = vector.broadcast %shift_left3A_59 : i32 to vector<16xi32>
    %shift_left3A_61 = arith.shli %get3A_52, %shift_left3A_60 : vector<16xi32>
    %shift_right_logical3A_62 = arith.constant 3 : i32
    %shift_right_logical3A_63 = vector.broadcast %shift_right_logical3A_62 : i32 to vector<16xi32>
    %shift_right_logical3A_64 = arith.shrui %get3A_58, %shift_right_logical3A_63 : vector<16xi32>
    %shift_left3A_65 = arith.constant 14 : i32
    %shift_left3A_66 = vector.broadcast %shift_left3A_65 : i32 to vector<16xi32>
    %shift_left3A_67 = arith.shli %shift_right_logical3A_64, %shift_left3A_66 : vector<16xi32>
    %or3A_68 = arith.ori %shift_left3A_61, %shift_left3A_67 : vector<16xi32>
    %shift_right_logical3A_69 = arith.constant 7 : i32
    %shift_right_logical3A_70 = vector.broadcast %shift_right_logical3A_69 : i32 to vector<16xi32>
    %shift_right_logical3A_71 = arith.shrui %get3A_55, %shift_right_logical3A_70 : vector<16xi32>
    %shift_left3A_72 = arith.constant 10 : i32
    %shift_left3A_73 = vector.broadcast %shift_left3A_72 : i32 to vector<16xi32>
    %shift_left3A_74 = arith.shli %shift_right_logical3A_71, %shift_left3A_73 : vector<16xi32>
    %or3A_75 = arith.ori %or3A_68, %shift_left3A_74 : vector<16xi32>
    %and3A_76 = arith.constant 7 : i32
    %and3A_77 = vector.broadcast %and3A_76 : i32 to vector<16xi32>
    %and3A_78 = arith.andi %get3A_58, %and3A_77 : vector<16xi32>
    %shift_left3A_79 = arith.constant 7 : i32
    %shift_left3A_80 = vector.broadcast %shift_left3A_79 : i32 to vector<16xi32>
    %shift_left3A_81 = arith.shli %and3A_78, %shift_left3A_80 : vector<16xi32>
    %or3A_82 = arith.ori %or3A_75, %shift_left3A_81 : vector<16xi32>
    %and3A_83 = arith.constant 127 : i32
    %and3A_84 = vector.broadcast %and3A_83 : i32 to vector<16xi32>
    %and3A_85 = arith.andi %get3A_55, %and3A_84 : vector<16xi32>
    %or3A_86 = arith.ori %or3A_82, %and3A_85 : vector<16xi32>
    %swap3A_87 = arith.constant 0 : i32
    %swap3A_88 = arith.index_cast %swap3A_87 : i32 to index
    %swap3A_89 = arith.constant 16 : index
    %swap3A_90 = tpu.vector_load %arg10[%swap3A_88, %swap3A_89] {strides = array<i32>} : memref<4x128xi32, #tpu.memory_space<vmem>>, vector<1x16xi32>,
    %swap3A_91 = vector.shape_cast %swap3A_90 : vector<1x16xi32> to vector<16xi32>
    %swap3A_92 = vector.shape_cast %or3A_86 : vector<16xi32> to vector<1x16xi32>
    tpu.vector_store %arg10[%swap3A_88, %swap3A_89], %swap3A_92 {strides = array<i32>} : memref<4x128xi32, #tpu.memory_space<vmem>>, vector<1x16xi32>,
    %get3A_93 = arith.constant 32 : index
    %get3A_94 = tpu.vector_load %arg7[%get3A_93] {strides = array<i32>} : memref<512xi32, #tpu.memory_space<vmem>>, vector<16xi32>,
    %get3A_95 = vector.shape_cast %get3A_94 : vector<16xi32> to vector<16xi32>
    %get3A_96 = arith.constant 32 : index
    %get3A_97 = tpu.vector_load %arg8[%get3A_96] {strides = array<i32>} : memref<512xi32, #tpu.memory_space<vmem>>, vector<16xi32>,
    %get3A_98 = vector.shape_cast %get3A_97 : vector<16xi32> to vector<16xi32>
    %get3A_99 = arith.constant 32 : index
    %get3A_100 = tpu.vector_load %arg9[%get3A_99] {strides = array<i32>} : memref<512xi32, #tpu.memory_space<vmem>>, vector<16xi32>,
    %get3A_101 = vector.shape_cast %get3A_100 : vector<16xi32> to vector<16xi32>
    %shift_left3A_102 = arith.constant 15 : i32
    %shift_left3A_103 = vector.broadcast %shift_left3A_102 : i32 to vector<16xi32>
    %shift_left3A_104 = arith.shli %get3A_95, %shift_left3A_103 : vector<16xi32>
    %shift_right_logical3A_105 = arith.constant 3 : i32
    %shift_right_logical3A_106 = vector.broadcast %shift_right_logical3A_105 : i32 to vector<16xi32>
    %shift_right_logical3A_107 = arith.shrui %get3A_101, %shift_right_logical3A_106 : vector<16xi32>
    %shift_left3A_108 = arith.constant 14 : i32
    %shift_left3A_109 = vector.broadcast %shift_left3A_108 : i32 to vector<16xi32>
    %shift_left3A_110 = arith.shli %shift_right_logical3A_107, %shift_left3A_109 : vector<16xi32>
    %or3A_111 = arith.ori %shift_left3A_104, %shift_left3A_110 : vector<16xi32>
    %shift_right_logical3A_112 = arith.constant 7 : i32
    %shift_right_logical3A_113 = vector.broadcast %shift_right_logical3A_112 : i32 to vector<16xi32>
    %shift_right_logical3A_114 = arith.shrui %get3A_98, %shift_right_logical3A_113 : vector<16xi32>
    %shift_left3A_115 = arith.constant 10 : i32
    %shift_left3A_116 = vector.broadcast %shift_left3A_115 : i32 to vector<16xi32>
    %shift_left3A_117 = arith.shli %shift_right_logical3A_114, %shift_left3A_116 : vector<16xi32>
    %or3A_118 = arith.ori %or3A_111, %shift_left3A_117 : vector<16xi32>
    %and3A_119 = arith.constant 7 : i32
    %and3A_120 = vector.broadcast %and3A_119 : i32 to vector<16xi32>
    %and3A_121 = arith.andi %get3A_101, %and3A_120 : vector<16xi32>
    %shift_left3A_122 = arith.constant 7 : i32
    %shift_left3A_123 = vector.broadcast %shift_left3A_122 : i32 to vector<16xi32>
    %shift_left3A_124 = arith.shli %and3A_121, %shift_left3A_123 : vector<16xi32>
    %or3A_125 = arith.ori %or3A_118, %shift_left3A_124 : vector<16xi32>
    %and3A_126 = arith.constant 127 : i32
    %and3A_127 = vector.broadcast %and3A_126 : i32 to vector<16xi32>
    %and3A_128 = arith.andi %get3A_98, %and3A_127 : vector<16xi32>
    %or3A_129 = arith.ori %or3A_125, %and3A_128 : vector<16xi32>
    %swap3A_130 = arith.constant 0 : i32
    %swap3A_131 = arith.index_cast %swap3A_130 : i32 to index
    %swap3A_132 = arith.constant 32 : index
    %swap3A_133 = tpu.vector_load %arg10[%swap3A_131, %swap3A_132] {strides = array<i32>} : memref<4x128xi32, #tpu.memory_space<vmem>>, vector<1x16xi32>,
    %swap3A_134 = vector.shape_cast %swap3A_133 : vector<1x16xi32> to vector<16xi32>
    %swap3A_135 = vector.shape_cast %or3A_129 : vector<16xi32> to vector<1x16xi32>
    tpu.vector_store %arg10[%swap3A_131, %swap3A_132], %swap3A_135 {strides = array<i32>} : memref<4x128xi32, #tpu.memory_space<vmem>>, vector<1x16xi32>,
    %get3A_136 = arith.constant 48 : index
    %get3A_137 = tpu.vector_load %arg7[%get3A_136] {strides = array<i32>} : memref<512xi32, #tpu.memory_space<vmem>>, vector<16xi32>,
    %get3A_138 = vector.shape_cast %get3A_137 : vector<16xi32> to vector<16xi32>
    %get3A_139 = arith.constant 48 : index
    %get3A_140 = tpu.vector_load %arg8[%get3A_139] {strides = array<i32>} : memref<512xi32, #tpu.memory_space<vmem>>, vector<16xi32>,
    %get3A_141 = vector.shape_cast %get3A_140 : vector<16xi32> to vector<16xi32>
    %get3A_142 = arith.constant 48 : index
    %get3A_143 = tpu.vector_load %arg9[%get3A_142] {strides = array<i32>} : memref<512xi32, #tpu.memory_space<vmem>>, vector<16xi32>,
    %get3A_144 = vector.shape_cast %get3A_143 : vector<16xi32> to vector<16xi32>
    %shift_left3A_145 = arith.constant 15 : i32
    %shift_left3A_146 = vector.broadcast %shift_left3A_145 : i32 to vector<16xi32>
    %shift_left3A_147 = arith.shli %get3A_138, %shift_left3A_146 : vector<16xi32>
    %shift_right_logical3A_148 = arith.constant 3 : i32
    %shift_right_logical3A_149 = vector.broadcast %shift_right_logical3A_148 : i32 to vector<16xi32>
    %shift_right_logical3A_150 = arith.shrui %get3A_144, %shift_right_logical3A_149 : vector<16xi32>
    %shift_left3A_151 = arith.constant 14 : i32
    %shift_left3A_152 = vector.broadcast %shift_left3A_151 : i32 to vector<16xi32>
    %shift_left3A_153 = arith.shli %shift_right_logical3A_150, %shift_left3A_152 : vector<16xi32>
    %or3A_154 = arith.ori %shift_left3A_147, %shift_left3A_153 : vector<16xi32>
    %shift_right_logical3A_155 = arith.constant 7 : i32
    %shift_right_logical3A_156 = vector.broadcast %shift_right_logical3A_155 : i32 to vector<16xi32>
    %shift_right_logical3A_157 = arith.shrui %get3A_141, %shift_right_logical3A_156 : vector<16xi32>
    %shift_left3A_158 = arith.constant 10 : i32
    %shift_left3A_159 = vector.broadcast %shift_left3A_158 : i32 to vector<16xi32>
    %shift_left3A_160 = arith.shli %shift_right_logical3A_157, %shift_left3A_159 : vector<16xi32>
    %or3A_161 = arith.ori %or3A_154, %shift_left3A_160 : vector<16xi32>
    %and3A_162 = arith.constant 7 : i32
    %and3A_163 = vector.broadcast %and3A_162 : i32 to vector<16xi32>
    %and3A_164 = arith.andi %get3A_144, %and3A_163 : vector<16xi32>
    %shift_left3A_165 = arith.constant 7 : i32
    %shift_left3A_166 = vector.broadcast %shift_left3A_165 : i32 to vector<16xi32>
    %shift_left3A_167 = arith.shli %and3A_164, %shift_left3A_166 : vector<16xi32>
    %or3A_168 = arith.ori %or3A_161, %shift_left3A_167 : vector<16xi32>
    %and3A_169 = arith.constant 127 : i32
    %and3A_170 = vector.broadcast %and3A_169 : i32 to vector<16xi32>
    %and3A_171 = arith.andi %get3A_141, %and3A_170 : vector<16xi32>
    %or3A_172 = arith.ori %or3A_168, %and3A_171 : vector<16xi32>
    %swap3A_173 = arith.constant 0 : i32
    %swap3A_174 = arith.index_cast %swap3A_173 : i32 to index
    %swap3A_175 = arith.constant 48 : index
    %swap3A_176 = tpu.vector_load %arg10[%swap3A_174, %swap3A_175] {strides = array<i32>} : memref<4x128xi32, #tpu.memory_space<vmem>>, vector<1x16xi32>,
    %swap3A_177 = vector.shape_cast %swap3A_176 : vector<1x16xi32> to vector<16xi32>
    %swap3A_178 = vector.shape_cast %or3A_172 : vector<16xi32> to vector<1x16xi32>
    tpu.vector_store %arg10[%swap3A_174, %swap3A_175], %swap3A_178 {strides = array<i32>} : memref<4x128xi32, #tpu.memory_space<vmem>>, vector<1x16xi32>,
    %get3A_179 = arith.constant 64 : index
    %get3A_180 = tpu.vector_load %arg7[%get3A_179] {strides = array<i32>} : memref<512xi32, #tpu.memory_space<vmem>>, vector<16xi32>,
    %get3A_181 = vector.shape_cast %get3A_180 : vector<16xi32> to vector<16xi32>
    %get3A_182 = arith.constant 64 : index
    %get3A_183 = tpu.vector_load %arg8[%get3A_182] {strides = array<i32>} : memref<512xi32, #tpu.memory_space<vmem>>, vector<16xi32>,
    %get3A_184 = vector.shape_cast %get3A_183 : vector<16xi32> to vector<16xi32>
    %get3A_185 = arith.constant 64 : index
    %get3A_186 = tpu.vector_load %arg9[%get3A_185] {strides = array<i32>} : memref<512xi32, #tpu.memory_space<vmem>>, vector<16xi32>,
    %get3A_187 = vector.shape_cast %get3A_186 : vector<16xi32> to vector<16xi32>
    %shift_left3A_188 = arith.constant 15 : i32
    %shift_left3A_189 = vector.broadcast %shift_left3A_188 : i32 to vector<16xi32>
    %shift_left3A_190 = arith.shli %get3A_181, %shift_left3A_189 : vector<16xi32>
    %shift_right_logical3A_191 = arith.constant 3 : i32
    %shift_right_logical3A_192 = vector.broadcast %shift_right_logical3A_191 : i32 to vector<16xi32>
    %shift_right_logical3A_193 = arith.shrui %get3A_187, %shift_right_logical3A_192 : vector<16xi32>
    %shift_left3A_194 = arith.constant 14 : i32
    %shift_left3A_195 = vector.broadcast %shift_left3A_194 : i32 to vector<16xi32>
    %shift_left3A_196 = arith.shli %shift_right_logical3A_193, %shift_left3A_195 : vector<16xi32>
    %or3A_197 = arith.ori %shift_left3A_190, %shift_left3A_196 : vector<16xi32>
    %shift_right_logical3A_198 = arith.constant 7 : i32
    %shift_right_logical3A_199 = vector.broadcast %shift_right_logical3A_198 : i32 to vector<16xi32>
    %shift_right_logical3A_200 = arith.shrui %get3A_184, %shift_right_logical3A_199 : vector<16xi32>
    %shift_left3A_201 = arith.constant 10 : i32
    %shift_left3A_202 = vector.broadcast %shift_left3A_201 : i32 to vector<16xi32>
    %shift_left3A_203 = arith.shli %shift_right_logical3A_200, %shift_left3A_202 : vector<16xi32>
    %or3A_204 = arith.ori %or3A_197, %shift_left3A_203 : vector<16xi32>
    %and3A_205 = arith.constant 7 : i32
    %and3A_206 = vector.broadcast %and3A_205 : i32 to vector<16xi32>
    %and3A_207 = arith.andi %get3A_187, %and3A_206 : vector<16xi32>
    %shift_left3A_208 = arith.constant 7 : i32
    %shift_left3A_209 = vector.broadcast %shift_left3A_208 : i32 to vector<16xi32>
    %shift_left3A_210 = arith.shli %and3A_207, %shift_left3A_209 : vector<16xi32>
    %or3A_211 = arith.ori %or3A_204, %shift_left3A_210 : vector<16xi32>
    %and3A_212 = arith.constant 127 : i32
    %and3A_213 = vector.broadcast %and3A_212 : i32 to vector<16xi32>
    %and3A_214 = arith.andi %get3A_184, %and3A_213 : vector<16xi32>
    %or3A_215 = arith.ori %or3A_211, %and3A_214 : vector<16xi32>
    %swap3A_216 = arith.constant 0 : i32
    %swap3A_217 = arith.index_cast %swap3A_216 : i32 to index
    %swap3A_218 = arith.constant 64 : index
    %swap3A_219 = tpu.vector_load %arg10[%swap3A_217, %swap3A_218] {strides = array<i32>} : memref<4x128xi32, #tpu.memory_space<vmem>>, vector<1x16xi32>,
    %swap3A_220 = vector.shape_cast %swap3A_219 : vector<1x16xi32> to vector<16xi32>
    %swap3A_221 = vector.shape_cast %or3A_215 : vector<16xi32> to vector<1x16xi32>
    tpu.vector_store %arg10[%swap3A_217, %swap3A_218], %swap3A_221 {strides = array<i32>} : memref<4x128xi32, #tpu.memory_space<vmem>>, vector<1x16xi32>,
    %get3A_222 = arith.constant 80 : index
    %get3A_223 = tpu.vector_load %arg7[%get3A_222] {strides = array<i32>} : memref<512xi32, #tpu.memory_space<vmem>>, vector<16xi32>,
    %get3A_224 = vector.shape_cast %get3A_223 : vector<16xi32> to vector<16xi32>
    %get3A_225 = arith.constant 80 : index
    %get3A_226 = tpu.vector_load %arg8[%get3A_225] {strides = array<i32>} : memref<512xi32, #tpu.memory_space<vmem>>, vector<16xi32>,
    %get3A_227 = vector.shape_cast %get3A_226 : vector<16xi32> to vector<16xi32>
    %get3A_228 = arith.constant 80 : index
    %get3A_229 = tpu.vector_load %arg9[%get3A_228] {strides = array<i32>} : memref<512xi32, #tpu.memory_space<vmem>>, vector<16xi32>,
    %get3A_230 = vector.shape_cast %get3A_229 : vector<16xi32> to vector<16xi32>
    %shift_left3A_231 = arith.constant 15 : i32
    %shift_left3A_232 = vector.broadcast %shift_left3A_231 : i32 to vector<16xi32>
    %shift_left3A_233 = arith.shli %get3A_224, %shift_left3A_232 : vector<16xi32>
    %shift_right_logical3A_234 = arith.constant 3 : i32
    %shift_right_logical3A_235 = vector.broadcast %shift_right_logical3A_234 : i32 to vector<16xi32>
    %shift_right_logical3A_236 = arith.shrui %get3A_230, %shift_right_logical3A_235 : vector<16xi32>
    %shift_left3A_237 = arith.constant 14 : i32
    %shift_left3A_238 = vector.broadcast %shift_left3A_237 : i32 to vector<16xi32>
    %shift_left3A_239 = arith.shli %shift_right_logical3A_236, %shift_left3A_238 : vector<16xi32>
    %or3A_240 = arith.ori %shift_left3A_233, %shift_left3A_239 : vector<16xi32>
    %shift_right_logical3A_241 = arith.constant 7 : i32
    %shift_right_logical3A_242 = vector.broadcast %shift_right_logical3A_241 : i32 to vector<16xi32>
    %shift_right_logical3A_243 = arith.shrui %get3A_227, %shift_right_logical3A_242 : vector<16xi32>
    %shift_left3A_244 = arith.constant 10 : i32
    %shift_left3A_245 = vector.broadcast %shift_left3A_244 : i32 to vector<16xi32>
    %shift_left3A_246 = arith.shli %shift_right_logical3A_243, %shift_left3A_245 : vector<16xi32>
    %or3A_247 = arith.ori %or3A_240, %shift_left3A_246 : vector<16xi32>
    %and3A_248 = arith.constant 7 : i32
    %and3A_249 = vector.broadcast %and3A_248 : i32 to vector<16xi32>
    %and3A_250 = arith.andi %get3A_230, %and3A_249 : vector<16xi32>
    %shift_left3A_251 = arith.constant 7 : i32
    %shift_left3A_252 = vector.broadcast %shift_left3A_251 : i32 to vector<16xi32>
    %shift_left3A_253 = arith.shli %and3A_250, %shift_left3A_252 : vector<16xi32>
    %or3A_254 = arith.ori %or3A_247, %shift_left3A_253 : vector<16xi32>
    %and3A_255 = arith.constant 127 : i32
    %and3A_256 = vector.broadcast %and3A_255 : i32 to vector<16xi32>
    %and3A_257 = arith.andi %get3A_227, %and3A_256 : vector<16xi32>
    %or3A_258 = arith.ori %or3A_254, %and3A_257 : vector<16xi32>
    %swap3A_259 = arith.constant 0 : i32
    %swap3A_260 = arith.index_cast %swap3A_259 : i32 to index
    %swap3A_261 = arith.constant 80 : index
    %swap3A_262 = tpu.vector_load %arg10[%swap3A_260, %swap3A_261] {strides = array<i32>} : memref<4x128xi32, #tpu.memory_space<vmem>>, vector<1x16xi32>,
    %swap3A_263 = vector.shape_cast %swap3A_262 : vector<1x16xi32> to vector<16xi32>
    %swap3A_264 = vector.shape_cast %or3A_258 : vector<16xi32> to vector<1x16xi32>
    tpu.vector_store %arg10[%swap3A_260, %swap3A_261], %swap3A_264 {strides = array<i32>} : memref<4x128xi32, #tpu.memory_space<vmem>>, vector<1x16xi32>,
    %get3A_265 = arith.constant 96 : index
    %get3A_266 = tpu.vector_load %arg7[%get3A_265] {strides = array<i32>} : memref<512xi32, #tpu.memory_space<vmem>>, vector<16xi32>,
    %get3A_267 = vector.shape_cast %get3A_266 : vector<16xi32> to vector<16xi32>
    %get3A_268 = arith.constant 96 : index
    %get3A_269 = tpu.vector_load %arg8[%get3A_268] {strides = array<i32>} : memref<512xi32, #tpu.memory_space<vmem>>, vector<16xi32>,
    %get3A_270 = vector.shape_cast %get3A_269 : vector<16xi32> to vector<16xi32>
    %get3A_271 = arith.constant 96 : index
    %get3A_272 = tpu.vector_load %arg9[%get3A_271] {strides = array<i32>} : memref<512xi32, #tpu.memory_space<vmem>>, vector<16xi32>,
    %get3A_273 = vector.shape_cast %get3A_272 : vector<16xi32> to vector<16xi32>
    %shift_left3A_274 = arith.constant 15 : i32
    %shift_left3A_275 = vector.broadcast %shift_left3A_274 : i32 to vector<16xi32>
    %shift_left3A_276 = arith.shli %get3A_267, %shift_left3A_275 : vector<16xi32>
    %shift_right_logical3A_277 = arith.constant 3 : i32
    %shift_right_logical3A_278 = vector.broadcast %shift_right_logical3A_277 : i32 to vector<16xi32>
    %shift_right_logical3A_279 = arith.shrui %get3A_273, %shift_right_logical3A_278 : vector<16xi32>
    %shift_left3A_280 = arith.constant 14 : i32
    %shift_left3A_281 = vector.broadcast %shift_left3A_280 : i32 to vector<16xi32>
    %shift_left3A_282 = arith.shli %shift_right_logical3A_279, %shift_left3A_281 : vector<16xi32>
    %or3A_283 = arith.ori %shift_left3A_276, %shift_left3A_282 : vector<16xi32>
    %shift_right_logical3A_284 = arith.constant 7 : i32
    %shift_right_logical3A_285 = vector.broadcast %shift_right_logical3A_284 : i32 to vector<16xi32>
    %shift_right_logical3A_286 = arith.shrui %get3A_270, %shift_right_logical3A_285 : vector<16xi32>
    %shift_left3A_287 = arith.constant 10 : i32
    %shift_left3A_288 = vector.broadcast %shift_left3A_287 : i32 to vector<16xi32>
    %shift_left3A_289 = arith.shli %shift_right_logical3A_286, %shift_left3A_288 : vector<16xi32>
    %or3A_290 = arith.ori %or3A_283, %shift_left3A_289 : vector<16xi32>
    %and3A_291 = arith.constant 7 : i32
    %and3A_292 = vector.broadcast %and3A_291 : i32 to vector<16xi32>
    %and3A_293 = arith.andi %get3A_273, %and3A_292 : vector<16xi32>
    %shift_left3A_294 = arith.constant 7 : i32
    %shift_left3A_295 = vector.broadcast %shift_left3A_294 : i32 to vector<16xi32>
    %shift_left3A_296 = arith.shli %and3A_293, %shift_left3A_295 : vector<16xi32>
    %or3A_297 = arith.ori %or3A_290, %shift_left3A_296 : vector<16xi32>
    %and3A_298 = arith.constant 127 : i32
    %and3A_299 = vector.broadcast %and3A_298 : i32 to vector<16xi32>
    %and3A_300 = arith.andi %get3A_270, %and3A_299 : vector<16xi32>
    %or3A_301 = arith.ori %or3A_297, %and3A_300 : vector<16xi32>
    %swap3A_302 = arith.constant 0 : i32
    %swap3A_303 = arith.index_cast %swap3A_302 : i32 to index
    %swap3A_304 = arith.constant 96 : index
    %swap3A_305 = tpu.vector_load %arg10[%swap3A_303, %swap3A_304] {strides = array<i32>} : memref<4x128xi32, #tpu.memory_space<vmem>>, vector<1x16xi32>,
    %swap3A_306 = vector.shape_cast %swap3A_305 : vector<1x16xi32> to vector<16xi32>
    %swap3A_307 = vector.shape_cast %or3A_301 : vector<16xi32> to vector<1x16xi32>
    tpu.vector_store %arg10[%swap3A_303, %swap3A_304], %swap3A_307 {strides = array<i32>} : memref<4x128xi32, #tpu.memory_space<vmem>>, vector<1x16xi32>,
    %get3A_308 = arith.constant 112 : index
    %get3A_309 = tpu.vector_load %arg7[%get3A_308] {strides = array<i32>} : memref<512xi32, #tpu.memory_space<vmem>>, vector<16xi32>,
    %get3A_310 = vector.shape_cast %get3A_309 : vector<16xi32> to vector<16xi32>
    %get3A_311 = arith.constant 112 : index
    %get3A_312 = tpu.vector_load %arg8[%get3A_311] {strides = array<i32>} : memref<512xi32, #tpu.memory_space<vmem>>, vector<16xi32>,
    %get3A_313 = vector.shape_cast %get3A_312 : vector<16xi32> to vector<16xi32>
    %get3A_314 = arith.constant 112 : index
    %get3A_315 = tpu.vector_load %arg9[%get3A_314] {strides = array<i32>} : memref<512xi32, #tpu.memory_space<vmem>>, vector<16xi32>,
    %get3A_316 = vector.shape_cast %get3A_315 : vector<16xi32> to vector<16xi32>
    %shift_left3A_317 = arith.constant 15 : i32
    %shift_left3A_318 = vector.broadcast %shift_left3A_317 : i32 to vector<16xi32>
    %shift_left3A_319 = arith.shli %get3A_310, %shift_left3A_318 : vector<16xi32>
    %shift_right_logical3A_320 = arith.constant 3 : i32
    %shift_right_logical3A_321 = vector.broadcast %shift_right_logical3A_320 : i32 to vector<16xi32>
    %shift_right_logical3A_322 = arith.shrui %get3A_316, %shift_right_logical3A_321 : vector<16xi32>
    %shift_left3A_323 = arith.constant 14 : i32
    %shift_left3A_324 = vector.broadcast %shift_left3A_323 : i32 to vector<16xi32>
    %shift_left3A_325 = arith.shli %shift_right_logical3A_322, %shift_left3A_324 : vector<16xi32>
    %or3A_326 = arith.ori %shift_left3A_319, %shift_left3A_325 : vector<16xi32>
    %shift_right_logical3A_327 = arith.constant 7 : i32
    %shift_right_logical3A_328 = vector.broadcast %shift_right_logical3A_327 : i32 to vector<16xi32>
    %shift_right_logical3A_329 = arith.shrui %get3A_313, %shift_right_logical3A_328 : vector<16xi32>
    %shift_left3A_330 = arith.constant 10 : i32
    %shift_left3A_331 = vector.broadcast %shift_left3A_330 : i32 to vector<16xi32>
    %shift_left3A_332 = arith.shli %shift_right_logical3A_329, %shift_left3A_331 : vector<16xi32>
    %or3A_333 = arith.ori %or3A_326, %shift_left3A_332 : vector<16xi32>
    %and3A_334 = arith.constant 7 : i32
    %and3A_335 = vector.broadcast %and3A_334 : i32 to vector<16xi32>
    %and3A_336 = arith.andi %get3A_316, %and3A_335 : vector<16xi32>
    %shift_left3A_337 = arith.constant 7 : i32
    %shift_left3A_338 = vector.broadcast %shift_left3A_337 : i32 to vector<16xi32>
    %shift_left3A_339 = arith.shli %and3A_336, %shift_left3A_338 : vector<16xi32>
    %or3A_340 = arith.ori %or3A_333, %shift_left3A_339 : vector<16xi32>
    %and3A_341 = arith.constant 127 : i32
    %and3A_342 = vector.broadcast %and3A_341 : i32 to vector<16xi32>
    %and3A_343 = arith.andi %get3A_313, %and3A_342 : vector<16xi32>
    %or3A_344 = arith.ori %or3A_340, %and3A_343 : vector<16xi32>
    %swap3A_345 = arith.constant 0 : i32
    %swap3A_346 = arith.index_cast %swap3A_345 : i32 to index
    %swap3A_347 = arith.constant 112 : index
    %swap3A_348 = tpu.vector_load %arg10[%swap3A_346, %swap3A_347] {strides = array<i32>} : memref<4x128xi32, #tpu.memory_space<vmem>>, vector<1x16xi32>,
    %swap3A_349 = vector.shape_cast %swap3A_348 : vector<1x16xi32> to vector<16xi32>
    %swap3A_350 = vector.shape_cast %or3A_344 : vector<16xi32> to vector<1x16xi32>
    tpu.vector_store %arg10[%swap3A_346, %swap3A_347], %swap3A_350 {strides = array<i32>} : memref<4x128xi32, #tpu.memory_space<vmem>>, vector<1x16xi32>,
    %dma_start3A_351 = arith.constant 0 : i32
    %dma_start3A_352 = arith.constant 0 : i32
    %dma_start3A_353 = tpu.memref_slice %arg11[%dma_start3A_352] : memref<512xf32, #tpu.memory_space<vmem>> -> memref<128xf32, #tpu.memory_space<vmem>>
    %dma_start3A_354 = arith.constant 0 : i32
    %dma_start3A_355 = tpu.memref_slice %arg10[%dma_start3A_351, %dma_start3A_354] : memref<4x128xi32, #tpu.memory_space<vmem>> -> memref<1x128xi32, #tpu.memory_space<vmem>>
    %dma_start3A_356 = tpu.memref_squeeze %dma_start3A_355 : memref<1x128xi32, #tpu.memory_space<vmem>> -> memref<128xi32, #tpu.memory_space<vmem>>
    %dma_start3A_357 = arith.constant 0 : i32
    %dma_start3A_358 = tpu.memref_slice %arg2[%dma_start3A_357] : memref<67108864xf32, #tpu.memory_space<hbm>> -> memref<67108864xf32, #tpu.memory_space<hbm>>
    tpu.enqueue_indirect_dma source(%dma_start3A_358 : memref<67108864xf32, #tpu.memory_space<hbm>>) target(%dma_start3A_353 : memref<128xf32, #tpu.memory_space<vmem>>) offsets(%dma_start3A_356 : memref<128xi32, #tpu.memory_space<vmem>>) semaphore(%arg13 : memref<!tpu.dma_semaphore, #tpu.memory_space<semaphore_mem>>)
    %get3A_359 = arith.constant 128 : index
    %get3A_360 = tpu.vector_load %arg7[%get3A_359] {strides = array<i32>} : memref<512xi32, #tpu.memory_space<vmem>>, vector<16xi32>,
    %get3A_361 = vector.shape_cast %get3A_360 : vector<16xi32> to vector<16xi32>
    %get3A_362 = arith.constant 128 : index
    %get3A_363 = tpu.vector_load %arg8[%get3A_362] {strides = array<i32>} : memref<512xi32, #tpu.memory_space<vmem>>, vector<16xi32>,
    %get3A_364 = vector.shape_cast %get3A_363 : vector<16xi32> to vector<16xi32>
    %get3A_365 = arith.constant 128 : index
    %get3A_366 = tpu.vector_load %arg9[%get3A_365] {strides = array<i32>} : memref<512xi32, #tpu.memory_space<vmem>>, vector<16xi32>,
    %get3A_367 = vector.shape_cast %get3A_366 : vector<16xi32> to vector<16xi32>
    %shift_left3A_368 = arith.constant 15 : i32
    %shift_left3A_369 = vector.broadcast %shift_left3A_368 : i32 to vector<16xi32>
    %shift_left3A_370 = arith.shli %get3A_361, %shift_left3A_369 : vector<16xi32>
    %shift_right_logical3A_371 = arith.constant 3 : i32
    %shift_right_logical3A_372 = vector.broadcast %shift_right_logical3A_371 : i32 to vector<16xi32>
    %shift_right_logical3A_373 = arith.shrui %get3A_367, %shift_right_logical3A_372 : vector<16xi32>
    %shift_left3A_374 = arith.constant 14 : i32
    %shift_left3A_375 = vector.broadcast %shift_left3A_374 : i32 to vector<16xi32>
    %shift_left3A_376 = arith.shli %shift_right_logical3A_373, %shift_left3A_375 : vector<16xi32>
    %or3A_377 = arith.ori %shift_left3A_370, %shift_left3A_376 : vector<16xi32>
    %shift_right_logical3A_378 = arith.constant 7 : i32
    %shift_right_logical3A_379 = vector.broadcast %shift_right_logical3A_378 : i32 to vector<16xi32>
    %shift_right_logical3A_380 = arith.shrui %get3A_364, %shift_right_logical3A_379 : vector<16xi32>
    %shift_left3A_381 = arith.constant 10 : i32
    %shift_left3A_382 = vector.broadcast %shift_left3A_381 : i32 to vector<16xi32>
    %shift_left3A_383 = arith.shli %shift_right_logical3A_380, %shift_left3A_382 : vector<16xi32>
    %or3A_384 = arith.ori %or3A_377, %shift_left3A_383 : vector<16xi32>
    %and3A_385 = arith.constant 7 : i32
    %and3A_386 = vector.broadcast %and3A_385 : i32 to vector<16xi32>
    %and3A_387 = arith.andi %get3A_367, %and3A_386 : vector<16xi32>
    %shift_left3A_388 = arith.constant 7 : i32
    %shift_left3A_389 = vector.broadcast %shift_left3A_388 : i32 to vector<16xi32>
    %shift_left3A_390 = arith.shli %and3A_387, %shift_left3A_389 : vector<16xi32>
    %or3A_391 = arith.ori %or3A_384, %shift_left3A_390 : vector<16xi32>
    %and3A_392 = arith.constant 127 : i32
    %and3A_393 = vector.broadcast %and3A_392 : i32 to vector<16xi32>
    %and3A_394 = arith.andi %get3A_364, %and3A_393 : vector<16xi32>
    %or3A_395 = arith.ori %or3A_391, %and3A_394 : vector<16xi32>
    %swap3A_396 = arith.constant 1 : i32
    %swap3A_397 = arith.index_cast %swap3A_396 : i32 to index
    %swap3A_398 = arith.constant 0 : index
    %swap3A_399 = tpu.vector_load %arg10[%swap3A_397, %swap3A_398] {strides = array<i32>} : memref<4x128xi32, #tpu.memory_space<vmem>>, vector<1x16xi32>,
    %swap3A_400 = vector.shape_cast %swap3A_399 : vector<1x16xi32> to vector<16xi32>
    %swap3A_401 = vector.shape_cast %or3A_395 : vector<16xi32> to vector<1x16xi32>
    tpu.vector_store %arg10[%swap3A_397, %swap3A_398], %swap3A_401 {strides = array<i32>} : memref<4x128xi32, #tpu.memory_space<vmem>>, vector<1x16xi32>,
    %get3A_402 = arith.constant 144 : index
    %get3A_403 = tpu.vector_load %arg7[%get3A_402] {strides = array<i32>} : memref<512xi32, #tpu.memory_space<vmem>>, vector<16xi32>,
    %get3A_404 = vector.shape_cast %get3A_403 : vector<16xi32> to vector<16xi32>
    %get3A_405 = arith.constant 144 : index
    %get3A_406 = tpu.vector_load %arg8[%get3A_405] {strides = array<i32>} : memref<512xi32, #tpu.memory_space<vmem>>, vector<16xi32>,
    %get3A_407 = vector.shape_cast %get3A_406 : vector<16xi32> to vector<16xi32>
    %get3A_408 = arith.constant 144 : index
    %get3A_409 = tpu.vector_load %arg9[%get3A_408] {strides = array<i32>} : memref<512xi32, #tpu.memory_space<vmem>>, vector<16xi32>,
    %get3A_410 = vector.shape_cast %get3A_409 : vector<16xi32> to vector<16xi32>
    %shift_left3A_411 = arith.constant 15 : i32
    %shift_left3A_412 = vector.broadcast %shift_left3A_411 : i32 to vector<16xi32>
    %shift_left3A_413 = arith.shli %get3A_404, %shift_left3A_412 : vector<16xi32>
    %shift_right_logical3A_414 = arith.constant 3 : i32
    %shift_right_logical3A_415 = vector.broadcast %shift_right_logical3A_414 : i32 to vector<16xi32>
    %shift_right_logical3A_416 = arith.shrui %get3A_410, %shift_right_logical3A_415 : vector<16xi32>
    %shift_left3A_417 = arith.constant 14 : i32
    %shift_left3A_418 = vector.broadcast %shift_left3A_417 : i32 to vector<16xi32>
    %shift_left3A_419 = arith.shli %shift_right_logical3A_416, %shift_left3A_418 : vector<16xi32>
    %or3A_420 = arith.ori %shift_left3A_413, %shift_left3A_419 : vector<16xi32>
    %shift_right_logical3A_421 = arith.constant 7 : i32
    %shift_right_logical3A_422 = vector.broadcast %shift_right_logical3A_421 : i32 to vector<16xi32>
    %shift_right_logical3A_423 = arith.shrui %get3A_407, %shift_right_logical3A_422 : vector<16xi32>
    %shift_left3A_424 = arith.constant 10 : i32
    %shift_left3A_425 = vector.broadcast %shift_left3A_424 : i32 to vector<16xi32>
    %shift_left3A_426 = arith.shli %shift_right_logical3A_423, %shift_left3A_425 : vector<16xi32>
    %or3A_427 = arith.ori %or3A_420, %shift_left3A_426 : vector<16xi32>
    %and3A_428 = arith.constant 7 : i32
    %and3A_429 = vector.broadcast %and3A_428 : i32 to vector<16xi32>
    %and3A_430 = arith.andi %get3A_410, %and3A_429 : vector<16xi32>
    %shift_left3A_431 = arith.constant 7 : i32
    %shift_left3A_432 = vector.broadcast %shift_left3A_431 : i32 to vector<16xi32>
    %shift_left3A_433 = arith.shli %and3A_430, %shift_left3A_432 : vector<16xi32>
    %or3A_434 = arith.ori %or3A_427, %shift_left3A_433 : vector<16xi32>
    %and3A_435 = arith.constant 127 : i32
    %and3A_436 = vector.broadcast %and3A_435 : i32 to vector<16xi32>
    %and3A_437 = arith.andi %get3A_407, %and3A_436 : vector<16xi32>
    %or3A_438 = arith.ori %or3A_434, %and3A_437 : vector<16xi32>
    %swap3A_439 = arith.constant 1 : i32
    %swap3A_440 = arith.index_cast %swap3A_439 : i32 to index
    %swap3A_441 = arith.constant 16 : index
    %swap3A_442 = tpu.vector_load %arg10[%swap3A_440, %swap3A_441] {strides = array<i32>} : memref<4x128xi32, #tpu.memory_space<vmem>>, vector<1x16xi32>,
    %swap3A_443 = vector.shape_cast %swap3A_442 : vector<1x16xi32> to vector<16xi32>
    %swap3A_444 = vector.shape_cast %or3A_438 : vector<16xi32> to vector<1x16xi32>
    tpu.vector_store %arg10[%swap3A_440, %swap3A_441], %swap3A_444 {strides = array<i32>} : memref<4x128xi32, #tpu.memory_space<vmem>>, vector<1x16xi32>,
    %get3A_445 = arith.constant 160 : index
    %get3A_446 = tpu.vector_load %arg7[%get3A_445] {strides = array<i32>} : memref<512xi32, #tpu.memory_space<vmem>>, vector<16xi32>,
    %get3A_447 = vector.shape_cast %get3A_446 : vector<16xi32> to vector<16xi32>
    %get3A_448 = arith.constant 160 : index
    %get3A_449 = tpu.vector_load %arg8[%get3A_448] {strides = array<i32>} : memref<512xi32, #tpu.memory_space<vmem>>, vector<16xi32>,
    %get3A_450 = vector.shape_cast %get3A_449 : vector<16xi32> to vector<16xi32>
    %get3A_451 = arith.constant 160 : index
    %get3A_452 = tpu.vector_load %arg9[%get3A_451] {strides = array<i32>} : memref<512xi32, #tpu.memory_space<vmem>>, vector<16xi32>,
    %get3A_453 = vector.shape_cast %get3A_452 : vector<16xi32> to vector<16xi32>
    %shift_left3A_454 = arith.constant 15 : i32
    %shift_left3A_455 = vector.broadcast %shift_left3A_454 : i32 to vector<16xi32>
    %shift_left3A_456 = arith.shli %get3A_447, %shift_left3A_455 : vector<16xi32>
    %shift_right_logical3A_457 = arith.constant 3 : i32
    %shift_right_logical3A_458 = vector.broadcast %shift_right_logical3A_457 : i32 to vector<16xi32>
    %shift_right_logical3A_459 = arith.shrui %get3A_453, %shift_right_logical3A_458 : vector<16xi32>
    %shift_left3A_460 = arith.constant 14 : i32
    %shift_left3A_461 = vector.broadcast %shift_left3A_460 : i32 to vector<16xi32>
    %shift_left3A_462 = arith.shli %shift_right_logical3A_459, %shift_left3A_461 : vector<16xi32>
    %or3A_463 = arith.ori %shift_left3A_456, %shift_left3A_462 : vector<16xi32>
    %shift_right_logical3A_464 = arith.constant 7 : i32
    %shift_right_logical3A_465 = vector.broadcast %shift_right_logical3A_464 : i32 to vector<16xi32>
    %shift_right_logical3A_466 = arith.shrui %get3A_450, %shift_right_logical3A_465 : vector<16xi32>
    %shift_left3A_467 = arith.constant 10 : i32
    %shift_left3A_468 = vector.broadcast %shift_left3A_467 : i32 to vector<16xi32>
    %shift_left3A_469 = arith.shli %shift_right_logical3A_466, %shift_left3A_468 : vector<16xi32>
    %or3A_470 = arith.ori %or3A_463, %shift_left3A_469 : vector<16xi32>
    %and3A_471 = arith.constant 7 : i32
    %and3A_472 = vector.broadcast %and3A_471 : i32 to vector<16xi32>
    %and3A_473 = arith.andi %get3A_453, %and3A_472 : vector<16xi32>
    %shift_left3A_474 = arith.constant 7 : i32
    %shift_left3A_475 = vector.broadcast %shift_left3A_474 : i32 to vector<16xi32>
    %shift_left3A_476 = arith.shli %and3A_473, %shift_left3A_475 : vector<16xi32>
    %or3A_477 = arith.ori %or3A_470, %shift_left3A_476 : vector<16xi32>
    %and3A_478 = arith.constant 127 : i32
    %and3A_479 = vector.broadcast %and3A_478 : i32 to vector<16xi32>
    %and3A_480 = arith.andi %get3A_450, %and3A_479 : vector<16xi32>
    %or3A_481 = arith.ori %or3A_477, %and3A_480 : vector<16xi32>
    %swap3A_482 = arith.constant 1 : i32
    %swap3A_483 = arith.index_cast %swap3A_482 : i32 to index
    %swap3A_484 = arith.constant 32 : index
    %swap3A_485 = tpu.vector_load %arg10[%swap3A_483, %swap3A_484] {strides = array<i32>} : memref<4x128xi32, #tpu.memory_space<vmem>>, vector<1x16xi32>,
    %swap3A_486 = vector.shape_cast %swap3A_485 : vector<1x16xi32> to vector<16xi32>
    %swap3A_487 = vector.shape_cast %or3A_481 : vector<16xi32> to vector<1x16xi32>
    tpu.vector_store %arg10[%swap3A_483, %swap3A_484], %swap3A_487 {strides = array<i32>} : memref<4x128xi32, #tpu.memory_space<vmem>>, vector<1x16xi32>,
    %get3A_488 = arith.constant 176 : index
    %get3A_489 = tpu.vector_load %arg7[%get3A_488] {strides = array<i32>} : memref<512xi32, #tpu.memory_space<vmem>>, vector<16xi32>,
    %get3A_490 = vector.shape_cast %get3A_489 : vector<16xi32> to vector<16xi32>
    %get3A_491 = arith.constant 176 : index
    %get3A_492 = tpu.vector_load %arg8[%get3A_491] {strides = array<i32>} : memref<512xi32, #tpu.memory_space<vmem>>, vector<16xi32>,
    %get3A_493 = vector.shape_cast %get3A_492 : vector<16xi32> to vector<16xi32>
    %get3A_494 = arith.constant 176 : index
    %get3A_495 = tpu.vector_load %arg9[%get3A_494] {strides = array<i32>} : memref<512xi32, #tpu.memory_space<vmem>>, vector<16xi32>,
    %get3A_496 = vector.shape_cast %get3A_495 : vector<16xi32> to vector<16xi32>
    %shift_left3A_497 = arith.constant 15 : i32
    %shift_left3A_498 = vector.broadcast %shift_left3A_497 : i32 to vector<16xi32>
    %shift_left3A_499 = arith.shli %get3A_490, %shift_left3A_498 : vector<16xi32>
    %shift_right_logical3A_500 = arith.constant 3 : i32
    %shift_right_logical3A_501 = vector.broadcast %shift_right_logical3A_500 : i32 to vector<16xi32>
    %shift_right_logical3A_502 = arith.shrui %get3A_496, %shift_right_logical3A_501 : vector<16xi32>
    %shift_left3A_503 = arith.constant 14 : i32
    %shift_left3A_504 = vector.broadcast %shift_left3A_503 : i32 to vector<16xi32>
    %shift_left3A_505 = arith.shli %shift_right_logical3A_502, %shift_left3A_504 : vector<16xi32>
    %or3A_506 = arith.ori %shift_left3A_499, %shift_left3A_505 : vector<16xi32>
    %shift_right_logical3A_507 = arith.constant 7 : i32
    %shift_right_logical3A_508 = vector.broadcast %shift_right_logical3A_507 : i32 to vector<16xi32>
    %shift_right_logical3A_509 = arith.shrui %get3A_493, %shift_right_logical3A_508 : vector<16xi32>
    %shift_left3A_510 = arith.constant 10 : i32
    %shift_left3A_511 = vector.broadcast %shift_left3A_510 : i32 to vector<16xi32>
    %shift_left3A_512 = arith.shli %shift_right_logical3A_509, %shift_left3A_511 : vector<16xi32>
    %or3A_513 = arith.ori %or3A_506, %shift_left3A_512 : vector<16xi32>
    %and3A_514 = arith.constant 7 : i32
    %and3A_515 = vector.broadcast %and3A_514 : i32 to vector<16xi32>
    %and3A_516 = arith.andi %get3A_496, %and3A_515 : vector<16xi32>
    %shift_left3A_517 = arith.constant 7 : i32
    %shift_left3A_518 = vector.broadcast %shift_left3A_517 : i32 to vector<16xi32>
    %shift_left3A_519 = arith.shli %and3A_516, %shift_left3A_518 : vector<16xi32>
    %or3A_520 = arith.ori %or3A_513, %shift_left3A_519 : vector<16xi32>
    %and3A_521 = arith.constant 127 : i32
    %and3A_522 = vector.broadcast %and3A_521 : i32 to vector<16xi32>
    %and3A_523 = arith.andi %get3A_493, %and3A_522 : vector<16xi32>
    %or3A_524 = arith.ori %or3A_520, %and3A_523 : vector<16xi32>
    %swap3A_525 = arith.constant 1 : i32
    %swap3A_526 = arith.index_cast %swap3A_525 : i32 to index
    %swap3A_527 = arith.constant 48 : index
    %swap3A_528 = tpu.vector_load %arg10[%swap3A_526, %swap3A_527] {strides = array<i32>} : memref<4x128xi32, #tpu.memory_space<vmem>>, vector<1x16xi32>,
    %swap3A_529 = vector.shape_cast %swap3A_528 : vector<1x16xi32> to vector<16xi32>
    %swap3A_530 = vector.shape_cast %or3A_524 : vector<16xi32> to vector<1x16xi32>
    tpu.vector_store %arg10[%swap3A_526, %swap3A_527], %swap3A_530 {strides = array<i32>} : memref<4x128xi32, #tpu.memory_space<vmem>>, vector<1x16xi32>,
    %get3A_531 = arith.constant 192 : index
    %get3A_532 = tpu.vector_load %arg7[%get3A_531] {strides = array<i32>} : memref<512xi32, #tpu.memory_space<vmem>>, vector<16xi32>,
    %get3A_533 = vector.shape_cast %get3A_532 : vector<16xi32> to vector<16xi32>
    %get3A_534 = arith.constant 192 : index
    %get3A_535 = tpu.vector_load %arg8[%get3A_534] {strides = array<i32>} : memref<512xi32, #tpu.memory_space<vmem>>, vector<16xi32>,
    %get3A_536 = vector.shape_cast %get3A_535 : vector<16xi32> to vector<16xi32>
    %get3A_537 = arith.constant 192 : index
    %get3A_538 = tpu.vector_load %arg9[%get3A_537] {strides = array<i32>} : memref<512xi32, #tpu.memory_space<vmem>>, vector<16xi32>,
    %get3A_539 = vector.shape_cast %get3A_538 : vector<16xi32> to vector<16xi32>
    %shift_left3A_540 = arith.constant 15 : i32
    %shift_left3A_541 = vector.broadcast %shift_left3A_540 : i32 to vector<16xi32>
    %shift_left3A_542 = arith.shli %get3A_533, %shift_left3A_541 : vector<16xi32>
    %shift_right_logical3A_543 = arith.constant 3 : i32
    %shift_right_logical3A_544 = vector.broadcast %shift_right_logical3A_543 : i32 to vector<16xi32>
    %shift_right_logical3A_545 = arith.shrui %get3A_539, %shift_right_logical3A_544 : vector<16xi32>
    %shift_left3A_546 = arith.constant 14 : i32
    %shift_left3A_547 = vector.broadcast %shift_left3A_546 : i32 to vector<16xi32>
    %shift_left3A_548 = arith.shli %shift_right_logical3A_545, %shift_left3A_547 : vector<16xi32>
    %or3A_549 = arith.ori %shift_left3A_542, %shift_left3A_548 : vector<16xi32>
    %shift_right_logical3A_550 = arith.constant 7 : i32
    %shift_right_logical3A_551 = vector.broadcast %shift_right_logical3A_550 : i32 to vector<16xi32>
    %shift_right_logical3A_552 = arith.shrui %get3A_536, %shift_right_logical3A_551 : vector<16xi32>
    %shift_left3A_553 = arith.constant 10 : i32
    %shift_left3A_554 = vector.broadcast %shift_left3A_553 : i32 to vector<16xi32>
    %shift_left3A_555 = arith.shli %shift_right_logical3A_552, %shift_left3A_554 : vector<16xi32>
    %or3A_556 = arith.ori %or3A_549, %shift_left3A_555 : vector<16xi32>
    %and3A_557 = arith.constant 7 : i32
    %and3A_558 = vector.broadcast %and3A_557 : i32 to vector<16xi32>
    %and3A_559 = arith.andi %get3A_539, %and3A_558 : vector<16xi32>
    %shift_left3A_560 = arith.constant 7 : i32
    %shift_left3A_561 = vector.broadcast %shift_left3A_560 : i32 to vector<16xi32>
    %shift_left3A_562 = arith.shli %and3A_559, %shift_left3A_561 : vector<16xi32>
    %or3A_563 = arith.ori %or3A_556, %shift_left3A_562 : vector<16xi32>
    %and3A_564 = arith.constant 127 : i32
    %and3A_565 = vector.broadcast %and3A_564 : i32 to vector<16xi32>
    %and3A_566 = arith.andi %get3A_536, %and3A_565 : vector<16xi32>
    %or3A_567 = arith.ori %or3A_563, %and3A_566 : vector<16xi32>
    %swap3A_568 = arith.constant 1 : i32
    %swap3A_569 = arith.index_cast %swap3A_568 : i32 to index
    %swap3A_570 = arith.constant 64 : index
    %swap3A_571 = tpu.vector_load %arg10[%swap3A_569, %swap3A_570] {strides = array<i32>} : memref<4x128xi32, #tpu.memory_space<vmem>>, vector<1x16xi32>,
    %swap3A_572 = vector.shape_cast %swap3A_571 : vector<1x16xi32> to vector<16xi32>
    %swap3A_573 = vector.shape_cast %or3A_567 : vector<16xi32> to vector<1x16xi32>
    tpu.vector_store %arg10[%swap3A_569, %swap3A_570], %swap3A_573 {strides = array<i32>} : memref<4x128xi32, #tpu.memory_space<vmem>>, vector<1x16xi32>,
    %get3A_574 = arith.constant 208 : index
    %get3A_575 = tpu.vector_load %arg7[%get3A_574] {strides = array<i32>} : memref<512xi32, #tpu.memory_space<vmem>>, vector<16xi32>,
    %get3A_576 = vector.shape_cast %get3A_575 : vector<16xi32> to vector<16xi32>
    %get3A_577 = arith.constant 208 : index
    %get3A_578 = tpu.vector_load %arg8[%get3A_577] {strides = array<i32>} : memref<512xi32, #tpu.memory_space<vmem>>, vector<16xi32>,
    %get3A_579 = vector.shape_cast %get3A_578 : vector<16xi32> to vector<16xi32>
    %get3A_580 = arith.constant 208 : index
    %get3A_581 = tpu.vector_load %arg9[%get3A_580] {strides = array<i32>} : memref<512xi32, #tpu.memory_space<vmem>>, vector<16xi32>,
    %get3A_582 = vector.shape_cast %get3A_581 : vector<16xi32> to vector<16xi32>
    %shift_left3A_583 = arith.constant 15 : i32
    %shift_left3A_584 = vector.broadcast %shift_left3A_583 : i32 to vector<16xi32>
    %shift_left3A_585 = arith.shli %get3A_576, %shift_left3A_584 : vector<16xi32>
    %shift_right_logical3A_586 = arith.constant 3 : i32
    %shift_right_logical3A_587 = vector.broadcast %shift_right_logical3A_586 : i32 to vector<16xi32>
    %shift_right_logical3A_588 = arith.shrui %get3A_582, %shift_right_logical3A_587 : vector<16xi32>
    %shift_left3A_589 = arith.constant 14 : i32
    %shift_left3A_590 = vector.broadcast %shift_left3A_589 : i32 to vector<16xi32>
    %shift_left3A_591 = arith.shli %shift_right_logical3A_588, %shift_left3A_590 : vector<16xi32>
    %or3A_592 = arith.ori %shift_left3A_585, %shift_left3A_591 : vector<16xi32>
    %shift_right_logical3A_593 = arith.constant 7 : i32
    %shift_right_logical3A_594 = vector.broadcast %shift_right_logical3A_593 : i32 to vector<16xi32>
    %shift_right_logical3A_595 = arith.shrui %get3A_579, %shift_right_logical3A_594 : vector<16xi32>
    %shift_left3A_596 = arith.constant 10 : i32
    %shift_left3A_597 = vector.broadcast %shift_left3A_596 : i32 to vector<16xi32>
    %shift_left3A_598 = arith.shli %shift_right_logical3A_595, %shift_left3A_597 : vector<16xi32>
    %or3A_599 = arith.ori %or3A_592, %shift_left3A_598 : vector<16xi32>
    %and3A_600 = arith.constant 7 : i32
    %and3A_601 = vector.broadcast %and3A_600 : i32 to vector<16xi32>
    %and3A_602 = arith.andi %get3A_582, %and3A_601 : vector<16xi32>
    %shift_left3A_603 = arith.constant 7 : i32
    %shift_left3A_604 = vector.broadcast %shift_left3A_603 : i32 to vector<16xi32>
    %shift_left3A_605 = arith.shli %and3A_602, %shift_left3A_604 : vector<16xi32>
    %or3A_606 = arith.ori %or3A_599, %shift_left3A_605 : vector<16xi32>
    %and3A_607 = arith.constant 127 : i32
    %and3A_608 = vector.broadcast %and3A_607 : i32 to vector<16xi32>
    %and3A_609 = arith.andi %get3A_579, %and3A_608 : vector<16xi32>
    %or3A_610 = arith.ori %or3A_606, %and3A_609 : vector<16xi32>
    %swap3A_611 = arith.constant 1 : i32
    %swap3A_612 = arith.index_cast %swap3A_611 : i32 to index
    %swap3A_613 = arith.constant 80 : index
    %swap3A_614 = tpu.vector_load %arg10[%swap3A_612, %swap3A_613] {strides = array<i32>} : memref<4x128xi32, #tpu.memory_space<vmem>>, vector<1x16xi32>,
    %swap3A_615 = vector.shape_cast %swap3A_614 : vector<1x16xi32> to vector<16xi32>
    %swap3A_616 = vector.shape_cast %or3A_610 : vector<16xi32> to vector<1x16xi32>
    tpu.vector_store %arg10[%swap3A_612, %swap3A_613], %swap3A_616 {strides = array<i32>} : memref<4x128xi32, #tpu.memory_space<vmem>>, vector<1x16xi32>,
    %get3A_617 = arith.constant 224 : index
    %get3A_618 = tpu.vector_load %arg7[%get3A_617] {strides = array<i32>} : memref<512xi32, #tpu.memory_space<vmem>>, vector<16xi32>,
    %get3A_619 = vector.shape_cast %get3A_618 : vector<16xi32> to vector<16xi32>
    %get3A_620 = arith.constant 224 : index
    %get3A_621 = tpu.vector_load %arg8[%get3A_620] {strides = array<i32>} : memref<512xi32, #tpu.memory_space<vmem>>, vector<16xi32>,
    %get3A_622 = vector.shape_cast %get3A_621 : vector<16xi32> to vector<16xi32>
    %get3A_623 = arith.constant 224 : index
    %get3A_624 = tpu.vector_load %arg9[%get3A_623] {strides = array<i32>} : memref<512xi32, #tpu.memory_space<vmem>>, vector<16xi32>,
    %get3A_625 = vector.shape_cast %get3A_624 : vector<16xi32> to vector<16xi32>
    %shift_left3A_626 = arith.constant 15 : i32
    %shift_left3A_627 = vector.broadcast %shift_left3A_626 : i32 to vector<16xi32>
    %shift_left3A_628 = arith.shli %get3A_619, %shift_left3A_627 : vector<16xi32>
    %shift_right_logical3A_629 = arith.constant 3 : i32
    %shift_right_logical3A_630 = vector.broadcast %shift_right_logical3A_629 : i32 to vector<16xi32>
    %shift_right_logical3A_631 = arith.shrui %get3A_625, %shift_right_logical3A_630 : vector<16xi32>
    %shift_left3A_632 = arith.constant 14 : i32
    %shift_left3A_633 = vector.broadcast %shift_left3A_632 : i32 to vector<16xi32>
    %shift_left3A_634 = arith.shli %shift_right_logical3A_631, %shift_left3A_633 : vector<16xi32>
    %or3A_635 = arith.ori %shift_left3A_628, %shift_left3A_634 : vector<16xi32>
    %shift_right_logical3A_636 = arith.constant 7 : i32
    %shift_right_logical3A_637 = vector.broadcast %shift_right_logical3A_636 : i32 to vector<16xi32>
    %shift_right_logical3A_638 = arith.shrui %get3A_622, %shift_right_logical3A_637 : vector<16xi32>
    %shift_left3A_639 = arith.constant 10 : i32
    %shift_left3A_640 = vector.broadcast %shift_left3A_639 : i32 to vector<16xi32>
    %shift_left3A_641 = arith.shli %shift_right_logical3A_638, %shift_left3A_640 : vector<16xi32>
    %or3A_642 = arith.ori %or3A_635, %shift_left3A_641 : vector<16xi32>
    %and3A_643 = arith.constant 7 : i32
    %and3A_644 = vector.broadcast %and3A_643 : i32 to vector<16xi32>
    %and3A_645 = arith.andi %get3A_625, %and3A_644 : vector<16xi32>
    %shift_left3A_646 = arith.constant 7 : i32
    %shift_left3A_647 = vector.broadcast %shift_left3A_646 : i32 to vector<16xi32>
    %shift_left3A_648 = arith.shli %and3A_645, %shift_left3A_647 : vector<16xi32>
    %or3A_649 = arith.ori %or3A_642, %shift_left3A_648 : vector<16xi32>
    %and3A_650 = arith.constant 127 : i32
    %and3A_651 = vector.broadcast %and3A_650 : i32 to vector<16xi32>
    %and3A_652 = arith.andi %get3A_622, %and3A_651 : vector<16xi32>
    %or3A_653 = arith.ori %or3A_649, %and3A_652 : vector<16xi32>
    %swap3A_654 = arith.constant 1 : i32
    %swap3A_655 = arith.index_cast %swap3A_654 : i32 to index
    %swap3A_656 = arith.constant 96 : index
    %swap3A_657 = tpu.vector_load %arg10[%swap3A_655, %swap3A_656] {strides = array<i32>} : memref<4x128xi32, #tpu.memory_space<vmem>>, vector<1x16xi32>,
    %swap3A_658 = vector.shape_cast %swap3A_657 : vector<1x16xi32> to vector<16xi32>
    %swap3A_659 = vector.shape_cast %or3A_653 : vector<16xi32> to vector<1x16xi32>
    tpu.vector_store %arg10[%swap3A_655, %swap3A_656], %swap3A_659 {strides = array<i32>} : memref<4x128xi32, #tpu.memory_space<vmem>>, vector<1x16xi32>,
    %get3A_660 = arith.constant 240 : index
    %get3A_661 = tpu.vector_load %arg7[%get3A_660] {strides = array<i32>} : memref<512xi32, #tpu.memory_space<vmem>>, vector<16xi32>,
    %get3A_662 = vector.shape_cast %get3A_661 : vector<16xi32> to vector<16xi32>
    %get3A_663 = arith.constant 240 : index
    %get3A_664 = tpu.vector_load %arg8[%get3A_663] {strides = array<i32>} : memref<512xi32, #tpu.memory_space<vmem>>, vector<16xi32>,
    %get3A_665 = vector.shape_cast %get3A_664 : vector<16xi32> to vector<16xi32>
    %get3A_666 = arith.constant 240 : index
    %get3A_667 = tpu.vector_load %arg9[%get3A_666] {strides = array<i32>} : memref<512xi32, #tpu.memory_space<vmem>>, vector<16xi32>,
    %get3A_668 = vector.shape_cast %get3A_667 : vector<16xi32> to vector<16xi32>
    %shift_left3A_669 = arith.constant 15 : i32
    %shift_left3A_670 = vector.broadcast %shift_left3A_669 : i32 to vector<16xi32>
    %shift_left3A_671 = arith.shli %get3A_662, %shift_left3A_670 : vector<16xi32>
    %shift_right_logical3A_672 = arith.constant 3 : i32
    %shift_right_logical3A_673 = vector.broadcast %shift_right_logical3A_672 : i32 to vector<16xi32>
    %shift_right_logical3A_674 = arith.shrui %get3A_668, %shift_right_logical3A_673 : vector<16xi32>
    %shift_left3A_675 = arith.constant 14 : i32
    %shift_left3A_676 = vector.broadcast %shift_left3A_675 : i32 to vector<16xi32>
    %shift_left3A_677 = arith.shli %shift_right_logical3A_674, %shift_left3A_676 : vector<16xi32>
    %or3A_678 = arith.ori %shift_left3A_671, %shift_left3A_677 : vector<16xi32>
    %shift_right_logical3A_679 = arith.constant 7 : i32
    %shift_right_logical3A_680 = vector.broadcast %shift_right_logical3A_679 : i32 to vector<16xi32>
    %shift_right_logical3A_681 = arith.shrui %get3A_665, %shift_right_logical3A_680 : vector<16xi32>
    %shift_left3A_682 = arith.constant 10 : i32
    %shift_left3A_683 = vector.broadcast %shift_left3A_682 : i32 to vector<16xi32>
    %shift_left3A_684 = arith.shli %shift_right_logical3A_681, %shift_left3A_683 : vector<16xi32>
    %or3A_685 = arith.ori %or3A_678, %shift_left3A_684 : vector<16xi32>
    %and3A_686 = arith.constant 7 : i32
    %and3A_687 = vector.broadcast %and3A_686 : i32 to vector<16xi32>
    %and3A_688 = arith.andi %get3A_668, %and3A_687 : vector<16xi32>
    %shift_left3A_689 = arith.constant 7 : i32
    %shift_left3A_690 = vector.broadcast %shift_left3A_689 : i32 to vector<16xi32>
    %shift_left3A_691 = arith.shli %and3A_688, %shift_left3A_690 : vector<16xi32>
    %or3A_692 = arith.ori %or3A_685, %shift_left3A_691 : vector<16xi32>
    %and3A_693 = arith.constant 127 : i32
    %and3A_694 = vector.broadcast %and3A_693 : i32 to vector<16xi32>
    %and3A_695 = arith.andi %get3A_665, %and3A_694 : vector<16xi32>
    %or3A_696 = arith.ori %or3A_692, %and3A_695 : vector<16xi32>
    %swap3A_697 = arith.constant 1 : i32
    %swap3A_698 = arith.index_cast %swap3A_697 : i32 to index
    %swap3A_699 = arith.constant 112 : index
    %swap3A_700 = tpu.vector_load %arg10[%swap3A_698, %swap3A_699] {strides = array<i32>} : memref<4x128xi32, #tpu.memory_space<vmem>>, vector<1x16xi32>,
    %swap3A_701 = vector.shape_cast %swap3A_700 : vector<1x16xi32> to vector<16xi32>
    %swap3A_702 = vector.shape_cast %or3A_696 : vector<16xi32> to vector<1x16xi32>
    tpu.vector_store %arg10[%swap3A_698, %swap3A_699], %swap3A_702 {strides = array<i32>} : memref<4x128xi32, #tpu.memory_space<vmem>>, vector<1x16xi32>,
    %dma_start3A_703 = arith.constant 1 : i32
    %dma_start3A_704 = arith.constant 128 : i32
    %dma_start3A_705 = tpu.memref_slice %arg11[%dma_start3A_704] : memref<512xf32, #tpu.memory_space<vmem>> -> memref<128xf32, #tpu.memory_space<vmem>>
    %dma_start3A_706 = arith.constant 0 : i32
    %dma_start3A_707 = tpu.memref_slice %arg10[%dma_start3A_703, %dma_start3A_706] : memref<4x128xi32, #tpu.memory_space<vmem>> -> memref<1x128xi32, #tpu.memory_space<vmem>>
    %dma_start3A_708 = tpu.memref_squeeze %dma_start3A_707 : memref<1x128xi32, #tpu.memory_space<vmem>> -> memref<128xi32, #tpu.memory_space<vmem>>
    %dma_start3A_709 = arith.constant 0 : i32
    %dma_start3A_710 = tpu.memref_slice %arg2[%dma_start3A_709] : memref<67108864xf32, #tpu.memory_space<hbm>> -> memref<67108864xf32, #tpu.memory_space<hbm>>
    tpu.enqueue_indirect_dma source(%dma_start3A_710 : memref<67108864xf32, #tpu.memory_space<hbm>>) target(%dma_start3A_705 : memref<128xf32, #tpu.memory_space<vmem>>) offsets(%dma_start3A_708 : memref<128xi32, #tpu.memory_space<vmem>>) semaphore(%arg13 : memref<!tpu.dma_semaphore, #tpu.memory_space<semaphore_mem>>)
    %get3A_711 = arith.constant 256 : index
    %get3A_712 = tpu.vector_load %arg7[%get3A_711] {strides = array<i32>} : memref<512xi32, #tpu.memory_space<vmem>>, vector<16xi32>,
    %get3A_713 = vector.shape_cast %get3A_712 : vector<16xi32> to vector<16xi32>
    %get3A_714 = arith.constant 256 : index
    %get3A_715 = tpu.vector_load %arg8[%get3A_714] {strides = array<i32>} : memref<512xi32, #tpu.memory_space<vmem>>, vector<16xi32>,
    %get3A_716 = vector.shape_cast %get3A_715 : vector<16xi32> to vector<16xi32>
    %get3A_717 = arith.constant 256 : index
    %get3A_718 = tpu.vector_load %arg9[%get3A_717] {strides = array<i32>} : memref<512xi32, #tpu.memory_space<vmem>>, vector<16xi32>,
    %get3A_719 = vector.shape_cast %get3A_718 : vector<16xi32> to vector<16xi32>
    %shift_left3A_720 = arith.constant 15 : i32
    %shift_left3A_721 = vector.broadcast %shift_left3A_720 : i32 to vector<16xi32>
    %shift_left3A_722 = arith.shli %get3A_713, %shift_left3A_721 : vector<16xi32>
    %shift_right_logical3A_723 = arith.constant 3 : i32
    %shift_right_logical3A_724 = vector.broadcast %shift_right_logical3A_723 : i32 to vector<16xi32>
    %shift_right_logical3A_725 = arith.shrui %get3A_719, %shift_right_logical3A_724 : vector<16xi32>
    %shift_left3A_726 = arith.constant 14 : i32
    %shift_left3A_727 = vector.broadcast %shift_left3A_726 : i32 to vector<16xi32>
    %shift_left3A_728 = arith.shli %shift_right_logical3A_725, %shift_left3A_727 : vector<16xi32>
    %or3A_729 = arith.ori %shift_left3A_722, %shift_left3A_728 : vector<16xi32>
    %shift_right_logical3A_730 = arith.constant 7 : i32
    %shift_right_logical3A_731 = vector.broadcast %shift_right_logical3A_730 : i32 to vector<16xi32>
    %shift_right_logical3A_732 = arith.shrui %get3A_716, %shift_right_logical3A_731 : vector<16xi32>
    %shift_left3A_733 = arith.constant 10 : i32
    %shift_left3A_734 = vector.broadcast %shift_left3A_733 : i32 to vector<16xi32>
    %shift_left3A_735 = arith.shli %shift_right_logical3A_732, %shift_left3A_734 : vector<16xi32>
    %or3A_736 = arith.ori %or3A_729, %shift_left3A_735 : vector<16xi32>
    %and3A_737 = arith.constant 7 : i32
    %and3A_738 = vector.broadcast %and3A_737 : i32 to vector<16xi32>
    %and3A_739 = arith.andi %get3A_719, %and3A_738 : vector<16xi32>
    %shift_left3A_740 = arith.constant 7 : i32
    %shift_left3A_741 = vector.broadcast %shift_left3A_740 : i32 to vector<16xi32>
    %shift_left3A_742 = arith.shli %and3A_739, %shift_left3A_741 : vector<16xi32>
    %or3A_743 = arith.ori %or3A_736, %shift_left3A_742 : vector<16xi32>
    %and3A_744 = arith.constant 127 : i32
    %and3A_745 = vector.broadcast %and3A_744 : i32 to vector<16xi32>
    %and3A_746 = arith.andi %get3A_716, %and3A_745 : vector<16xi32>
    %or3A_747 = arith.ori %or3A_743, %and3A_746 : vector<16xi32>
    %swap3A_748 = arith.constant 2 : i32
    %swap3A_749 = arith.index_cast %swap3A_748 : i32 to index
    %swap3A_750 = arith.constant 0 : index
    %swap3A_751 = tpu.vector_load %arg10[%swap3A_749, %swap3A_750] {strides = array<i32>} : memref<4x128xi32, #tpu.memory_space<vmem>>, vector<1x16xi32>,
    %swap3A_752 = vector.shape_cast %swap3A_751 : vector<1x16xi32> to vector<16xi32>
    %swap3A_753 = vector.shape_cast %or3A_747 : vector<16xi32> to vector<1x16xi32>
    tpu.vector_store %arg10[%swap3A_749, %swap3A_750], %swap3A_753 {strides = array<i32>} : memref<4x128xi32, #tpu.memory_space<vmem>>, vector<1x16xi32>,
    %get3A_754 = arith.constant 272 : index
    %get3A_755 = tpu.vector_load %arg7[%get3A_754] {strides = array<i32>} : memref<512xi32, #tpu.memory_space<vmem>>, vector<16xi32>,
    %get3A_756 = vector.shape_cast %get3A_755 : vector<16xi32> to vector<16xi32>
    %get3A_757 = arith.constant 272 : index
    %get3A_758 = tpu.vector_load %arg8[%get3A_757] {strides = array<i32>} : memref<512xi32, #tpu.memory_space<vmem>>, vector<16xi32>,
    %get3A_759 = vector.shape_cast %get3A_758 : vector<16xi32> to vector<16xi32>
    %get3A_760 = arith.constant 272 : index
    %get3A_761 = tpu.vector_load %arg9[%get3A_760] {strides = array<i32>} : memref<512xi32, #tpu.memory_space<vmem>>, vector<16xi32>,
    %get3A_762 = vector.shape_cast %get3A_761 : vector<16xi32> to vector<16xi32>
    %shift_left3A_763 = arith.constant 15 : i32
    %shift_left3A_764 = vector.broadcast %shift_left3A_763 : i32 to vector<16xi32>
    %shift_left3A_765 = arith.shli %get3A_756, %shift_left3A_764 : vector<16xi32>
    %shift_right_logical3A_766 = arith.constant 3 : i32
    %shift_right_logical3A_767 = vector.broadcast %shift_right_logical3A_766 : i32 to vector<16xi32>
    %shift_right_logical3A_768 = arith.shrui %get3A_762, %shift_right_logical3A_767 : vector<16xi32>
    %shift_left3A_769 = arith.constant 14 : i32
    %shift_left3A_770 = vector.broadcast %shift_left3A_769 : i32 to vector<16xi32>
    %shift_left3A_771 = arith.shli %shift_right_logical3A_768, %shift_left3A_770 : vector<16xi32>
    %or3A_772 = arith.ori %shift_left3A_765, %shift_left3A_771 : vector<16xi32>
    %shift_right_logical3A_773 = arith.constant 7 : i32
    %shift_right_logical3A_774 = vector.broadcast %shift_right_logical3A_773 : i32 to vector<16xi32>
    %shift_right_logical3A_775 = arith.shrui %get3A_759, %shift_right_logical3A_774 : vector<16xi32>
    %shift_left3A_776 = arith.constant 10 : i32
    %shift_left3A_777 = vector.broadcast %shift_left3A_776 : i32 to vector<16xi32>
    %shift_left3A_778 = arith.shli %shift_right_logical3A_775, %shift_left3A_777 : vector<16xi32>
    %or3A_779 = arith.ori %or3A_772, %shift_left3A_778 : vector<16xi32>
    %and3A_780 = arith.constant 7 : i32
    %and3A_781 = vector.broadcast %and3A_780 : i32 to vector<16xi32>
    %and3A_782 = arith.andi %get3A_762, %and3A_781 : vector<16xi32>
    %shift_left3A_783 = arith.constant 7 : i32
    %shift_left3A_784 = vector.broadcast %shift_left3A_783 : i32 to vector<16xi32>
    %shift_left3A_785 = arith.shli %and3A_782, %shift_left3A_784 : vector<16xi32>
    %or3A_786 = arith.ori %or3A_779, %shift_left3A_785 : vector<16xi32>
    %and3A_787 = arith.constant 127 : i32
    %and3A_788 = vector.broadcast %and3A_787 : i32 to vector<16xi32>
    %and3A_789 = arith.andi %get3A_759, %and3A_788 : vector<16xi32>
    %or3A_790 = arith.ori %or3A_786, %and3A_789 : vector<16xi32>
    %swap3A_791 = arith.constant 2 : i32
    %swap3A_792 = arith.index_cast %swap3A_791 : i32 to index
    %swap3A_793 = arith.constant 16 : index
    %swap3A_794 = tpu.vector_load %arg10[%swap3A_792, %swap3A_793] {strides = array<i32>} : memref<4x128xi32, #tpu.memory_space<vmem>>, vector<1x16xi32>,
    %swap3A_795 = vector.shape_cast %swap3A_794 : vector<1x16xi32> to vector<16xi32>
    %swap3A_796 = vector.shape_cast %or3A_790 : vector<16xi32> to vector<1x16xi32>
    tpu.vector_store %arg10[%swap3A_792, %swap3A_793], %swap3A_796 {strides = array<i32>} : memref<4x128xi32, #tpu.memory_space<vmem>>, vector<1x16xi32>,
    %get3A_797 = arith.constant 288 : index
    %get3A_798 = tpu.vector_load %arg7[%get3A_797] {strides = array<i32>} : memref<512xi32, #tpu.memory_space<vmem>>, vector<16xi32>,
    %get3A_799 = vector.shape_cast %get3A_798 : vector<16xi32> to vector<16xi32>
    %get3A_800 = arith.constant 288 : index
    %get3A_801 = tpu.vector_load %arg8[%get3A_800] {strides = array<i32>} : memref<512xi32, #tpu.memory_space<vmem>>, vector<16xi32>,
    %get3A_802 = vector.shape_cast %get3A_801 : vector<16xi32> to vector<16xi32>
    %get3A_803 = arith.constant 288 : index
    %get3A_804 = tpu.vector_load %arg9[%get3A_803] {strides = array<i32>} : memref<512xi32, #tpu.memory_space<vmem>>, vector<16xi32>,
    %get3A_805 = vector.shape_cast %get3A_804 : vector<16xi32> to vector<16xi32>
    %shift_left3A_806 = arith.constant 15 : i32
    %shift_left3A_807 = vector.broadcast %shift_left3A_806 : i32 to vector<16xi32>
    %shift_left3A_808 = arith.shli %get3A_799, %shift_left3A_807 : vector<16xi32>
    %shift_right_logical3A_809 = arith.constant 3 : i32
    %shift_right_logical3A_810 = vector.broadcast %shift_right_logical3A_809 : i32 to vector<16xi32>
    %shift_right_logical3A_811 = arith.shrui %get3A_805, %shift_right_logical3A_810 : vector<16xi32>
    %shift_left3A_812 = arith.constant 14 : i32
    %shift_left3A_813 = vector.broadcast %shift_left3A_812 : i32 to vector<16xi32>
    %shift_left3A_814 = arith.shli %shift_right_logical3A_811, %shift_left3A_813 : vector<16xi32>
    %or3A_815 = arith.ori %shift_left3A_808, %shift_left3A_814 : vector<16xi32>
    %shift_right_logical3A_816 = arith.constant 7 : i32
    %shift_right_logical3A_817 = vector.broadcast %shift_right_logical3A_816 : i32 to vector<16xi32>
    %shift_right_logical3A_818 = arith.shrui %get3A_802, %shift_right_logical3A_817 : vector<16xi32>
    %shift_left3A_819 = arith.constant 10 : i32
    %shift_left3A_820 = vector.broadcast %shift_left3A_819 : i32 to vector<16xi32>
    %shift_left3A_821 = arith.shli %shift_right_logical3A_818, %shift_left3A_820 : vector<16xi32>
    %or3A_822 = arith.ori %or3A_815, %shift_left3A_821 : vector<16xi32>
    %and3A_823 = arith.constant 7 : i32
    %and3A_824 = vector.broadcast %and3A_823 : i32 to vector<16xi32>
    %and3A_825 = arith.andi %get3A_805, %and3A_824 : vector<16xi32>
    %shift_left3A_826 = arith.constant 7 : i32
    %shift_left3A_827 = vector.broadcast %shift_left3A_826 : i32 to vector<16xi32>
    %shift_left3A_828 = arith.shli %and3A_825, %shift_left3A_827 : vector<16xi32>
    %or3A_829 = arith.ori %or3A_822, %shift_left3A_828 : vector<16xi32>
    %and3A_830 = arith.constant 127 : i32
    %and3A_831 = vector.broadcast %and3A_830 : i32 to vector<16xi32>
    %and3A_832 = arith.andi %get3A_802, %and3A_831 : vector<16xi32>
    %or3A_833 = arith.ori %or3A_829, %and3A_832 : vector<16xi32>
    %swap3A_834 = arith.constant 2 : i32
    %swap3A_835 = arith.index_cast %swap3A_834 : i32 to index
    %swap3A_836 = arith.constant 32 : index
    %swap3A_837 = tpu.vector_load %arg10[%swap3A_835, %swap3A_836] {strides = array<i32>} : memref<4x128xi32, #tpu.memory_space<vmem>>, vector<1x16xi32>,
    %swap3A_838 = vector.shape_cast %swap3A_837 : vector<1x16xi32> to vector<16xi32>
    %swap3A_839 = vector.shape_cast %or3A_833 : vector<16xi32> to vector<1x16xi32>
    tpu.vector_store %arg10[%swap3A_835, %swap3A_836], %swap3A_839 {strides = array<i32>} : memref<4x128xi32, #tpu.memory_space<vmem>>, vector<1x16xi32>,
    %get3A_840 = arith.constant 304 : index
    %get3A_841 = tpu.vector_load %arg7[%get3A_840] {strides = array<i32>} : memref<512xi32, #tpu.memory_space<vmem>>, vector<16xi32>,
    %get3A_842 = vector.shape_cast %get3A_841 : vector<16xi32> to vector<16xi32>
    %get3A_843 = arith.constant 304 : index
    %get3A_844 = tpu.vector_load %arg8[%get3A_843] {strides = array<i32>} : memref<512xi32, #tpu.memory_space<vmem>>, vector<16xi32>,
    %get3A_845 = vector.shape_cast %get3A_844 : vector<16xi32> to vector<16xi32>
    %get3A_846 = arith.constant 304 : index
    %get3A_847 = tpu.vector_load %arg9[%get3A_846] {strides = array<i32>} : memref<512xi32, #tpu.memory_space<vmem>>, vector<16xi32>,
    %get3A_848 = vector.shape_cast %get3A_847 : vector<16xi32> to vector<16xi32>
    %shift_left3A_849 = arith.constant 15 : i32
    %shift_left3A_850 = vector.broadcast %shift_left3A_849 : i32 to vector<16xi32>
    %shift_left3A_851 = arith.shli %get3A_842, %shift_left3A_850 : vector<16xi32>
    %shift_right_logical3A_852 = arith.constant 3 : i32
    %shift_right_logical3A_853 = vector.broadcast %shift_right_logical3A_852 : i32 to vector<16xi32>
    %shift_right_logical3A_854 = arith.shrui %get3A_848, %shift_right_logical3A_853 : vector<16xi32>
    %shift_left3A_855 = arith.constant 14 : i32
    %shift_left3A_856 = vector.broadcast %shift_left3A_855 : i32 to vector<16xi32>
    %shift_left3A_857 = arith.shli %shift_right_logical3A_854, %shift_left3A_856 : vector<16xi32>
    %or3A_858 = arith.ori %shift_left3A_851, %shift_left3A_857 : vector<16xi32>
    %shift_right_logical3A_859 = arith.constant 7 : i32
    %shift_right_logical3A_860 = vector.broadcast %shift_right_logical3A_859 : i32 to vector<16xi32>
    %shift_right_logical3A_861 = arith.shrui %get3A_845, %shift_right_logical3A_860 : vector<16xi32>
    %shift_left3A_862 = arith.constant 10 : i32
    %shift_left3A_863 = vector.broadcast %shift_left3A_862 : i32 to vector<16xi32>
    %shift_left3A_864 = arith.shli %shift_right_logical3A_861, %shift_left3A_863 : vector<16xi32>
    %or3A_865 = arith.ori %or3A_858, %shift_left3A_864 : vector<16xi32>
    %and3A_866 = arith.constant 7 : i32
    %and3A_867 = vector.broadcast %and3A_866 : i32 to vector<16xi32>
    %and3A_868 = arith.andi %get3A_848, %and3A_867 : vector<16xi32>
    %shift_left3A_869 = arith.constant 7 : i32
    %shift_left3A_870 = vector.broadcast %shift_left3A_869 : i32 to vector<16xi32>
    %shift_left3A_871 = arith.shli %and3A_868, %shift_left3A_870 : vector<16xi32>
    %or3A_872 = arith.ori %or3A_865, %shift_left3A_871 : vector<16xi32>
    %and3A_873 = arith.constant 127 : i32
    %and3A_874 = vector.broadcast %and3A_873 : i32 to vector<16xi32>
    %and3A_875 = arith.andi %get3A_845, %and3A_874 : vector<16xi32>
    %or3A_876 = arith.ori %or3A_872, %and3A_875 : vector<16xi32>
    %swap3A_877 = arith.constant 2 : i32
    %swap3A_878 = arith.index_cast %swap3A_877 : i32 to index
    %swap3A_879 = arith.constant 48 : index
    %swap3A_880 = tpu.vector_load %arg10[%swap3A_878, %swap3A_879] {strides = array<i32>} : memref<4x128xi32, #tpu.memory_space<vmem>>, vector<1x16xi32>,
    %swap3A_881 = vector.shape_cast %swap3A_880 : vector<1x16xi32> to vector<16xi32>
    %swap3A_882 = vector.shape_cast %or3A_876 : vector<16xi32> to vector<1x16xi32>
    tpu.vector_store %arg10[%swap3A_878, %swap3A_879], %swap3A_882 {strides = array<i32>} : memref<4x128xi32, #tpu.memory_space<vmem>>, vector<1x16xi32>,
    %get3A_883 = arith.constant 320 : index
    %get3A_884 = tpu.vector_load %arg7[%get3A_883] {strides = array<i32>} : memref<512xi32, #tpu.memory_space<vmem>>, vector<16xi32>,
    %get3A_885 = vector.shape_cast %get3A_884 : vector<16xi32> to vector<16xi32>
    %get3A_886 = arith.constant 320 : index
    %get3A_887 = tpu.vector_load %arg8[%get3A_886] {strides = array<i32>} : memref<512xi32, #tpu.memory_space<vmem>>, vector<16xi32>,
    %get3A_888 = vector.shape_cast %get3A_887 : vector<16xi32> to vector<16xi32>
    %get3A_889 = arith.constant 320 : index
    %get3A_890 = tpu.vector_load %arg9[%get3A_889] {strides = array<i32>} : memref<512xi32, #tpu.memory_space<vmem>>, vector<16xi32>,
    %get3A_891 = vector.shape_cast %get3A_890 : vector<16xi32> to vector<16xi32>
    %shift_left3A_892 = arith.constant 15 : i32
    %shift_left3A_893 = vector.broadcast %shift_left3A_892 : i32 to vector<16xi32>
    %shift_left3A_894 = arith.shli %get3A_885, %shift_left3A_893 : vector<16xi32>
    %shift_right_logical3A_895 = arith.constant 3 : i32
    %shift_right_logical3A_896 = vector.broadcast %shift_right_logical3A_895 : i32 to vector<16xi32>
    %shift_right_logical3A_897 = arith.shrui %get3A_891, %shift_right_logical3A_896 : vector<16xi32>
    %shift_left3A_898 = arith.constant 14 : i32
    %shift_left3A_899 = vector.broadcast %shift_left3A_898 : i32 to vector<16xi32>
    %shift_left3A_900 = arith.shli %shift_right_logical3A_897, %shift_left3A_899 : vector<16xi32>
    %or3A_901 = arith.ori %shift_left3A_894, %shift_left3A_900 : vector<16xi32>
    %shift_right_logical3A_902 = arith.constant 7 : i32
    %shift_right_logical3A_903 = vector.broadcast %shift_right_logical3A_902 : i32 to vector<16xi32>
    %shift_right_logical3A_904 = arith.shrui %get3A_888, %shift_right_logical3A_903 : vector<16xi32>
    %shift_left3A_905 = arith.constant 10 : i32
    %shift_left3A_906 = vector.broadcast %shift_left3A_905 : i32 to vector<16xi32>
    %shift_left3A_907 = arith.shli %shift_right_logical3A_904, %shift_left3A_906 : vector<16xi32>
    %or3A_908 = arith.ori %or3A_901, %shift_left3A_907 : vector<16xi32>
    %and3A_909 = arith.constant 7 : i32
    %and3A_910 = vector.broadcast %and3A_909 : i32 to vector<16xi32>
    %and3A_911 = arith.andi %get3A_891, %and3A_910 : vector<16xi32>
    %shift_left3A_912 = arith.constant 7 : i32
    %shift_left3A_913 = vector.broadcast %shift_left3A_912 : i32 to vector<16xi32>
    %shift_left3A_914 = arith.shli %and3A_911, %shift_left3A_913 : vector<16xi32>
    %or3A_915 = arith.ori %or3A_908, %shift_left3A_914 : vector<16xi32>
    %and3A_916 = arith.constant 127 : i32
    %and3A_917 = vector.broadcast %and3A_916 : i32 to vector<16xi32>
    %and3A_918 = arith.andi %get3A_888, %and3A_917 : vector<16xi32>
    %or3A_919 = arith.ori %or3A_915, %and3A_918 : vector<16xi32>
    %swap3A_920 = arith.constant 2 : i32
    %swap3A_921 = arith.index_cast %swap3A_920 : i32 to index
    %swap3A_922 = arith.constant 64 : index
    %swap3A_923 = tpu.vector_load %arg10[%swap3A_921, %swap3A_922] {strides = array<i32>} : memref<4x128xi32, #tpu.memory_space<vmem>>, vector<1x16xi32>,
    %swap3A_924 = vector.shape_cast %swap3A_923 : vector<1x16xi32> to vector<16xi32>
    %swap3A_925 = vector.shape_cast %or3A_919 : vector<16xi32> to vector<1x16xi32>
    tpu.vector_store %arg10[%swap3A_921, %swap3A_922], %swap3A_925 {strides = array<i32>} : memref<4x128xi32, #tpu.memory_space<vmem>>, vector<1x16xi32>,
    %get3A_926 = arith.constant 336 : index
    %get3A_927 = tpu.vector_load %arg7[%get3A_926] {strides = array<i32>} : memref<512xi32, #tpu.memory_space<vmem>>, vector<16xi32>,
    %get3A_928 = vector.shape_cast %get3A_927 : vector<16xi32> to vector<16xi32>
    %get3A_929 = arith.constant 336 : index
    %get3A_930 = tpu.vector_load %arg8[%get3A_929] {strides = array<i32>} : memref<512xi32, #tpu.memory_space<vmem>>, vector<16xi32>,
    %get3A_931 = vector.shape_cast %get3A_930 : vector<16xi32> to vector<16xi32>
    %get3A_932 = arith.constant 336 : index
    %get3A_933 = tpu.vector_load %arg9[%get3A_932] {strides = array<i32>} : memref<512xi32, #tpu.memory_space<vmem>>, vector<16xi32>,
    %get3A_934 = vector.shape_cast %get3A_933 : vector<16xi32> to vector<16xi32>
    %shift_left3A_935 = arith.constant 15 : i32
    %shift_left3A_936 = vector.broadcast %shift_left3A_935 : i32 to vector<16xi32>
    %shift_left3A_937 = arith.shli %get3A_928, %shift_left3A_936 : vector<16xi32>
    %shift_right_logical3A_938 = arith.constant 3 : i32
    %shift_right_logical3A_939 = vector.broadcast %shift_right_logical3A_938 : i32 to vector<16xi32>
    %shift_right_logical3A_940 = arith.shrui %get3A_934, %shift_right_logical3A_939 : vector<16xi32>
    %shift_left3A_941 = arith.constant 14 : i32
    %shift_left3A_942 = vector.broadcast %shift_left3A_941 : i32 to vector<16xi32>
    %shift_left3A_943 = arith.shli %shift_right_logical3A_940, %shift_left3A_942 : vector<16xi32>
    %or3A_944 = arith.ori %shift_left3A_937, %shift_left3A_943 : vector<16xi32>
    %shift_right_logical3A_945 = arith.constant 7 : i32
    %shift_right_logical3A_946 = vector.broadcast %shift_right_logical3A_945 : i32 to vector<16xi32>
    %shift_right_logical3A_947 = arith.shrui %get3A_931, %shift_right_logical3A_946 : vector<16xi32>
    %shift_left3A_948 = arith.constant 10 : i32
    %shift_left3A_949 = vector.broadcast %shift_left3A_948 : i32 to vector<16xi32>
    %shift_left3A_950 = arith.shli %shift_right_logical3A_947, %shift_left3A_949 : vector<16xi32>
    %or3A_951 = arith.ori %or3A_944, %shift_left3A_950 : vector<16xi32>
    %and3A_952 = arith.constant 7 : i32
    %and3A_953 = vector.broadcast %and3A_952 : i32 to vector<16xi32>
    %and3A_954 = arith.andi %get3A_934, %and3A_953 : vector<16xi32>
    %shift_left3A_955 = arith.constant 7 : i32
    %shift_left3A_956 = vector.broadcast %shift_left3A_955 : i32 to vector<16xi32>
    %shift_left3A_957 = arith.shli %and3A_954, %shift_left3A_956 : vector<16xi32>
    %or3A_958 = arith.ori %or3A_951, %shift_left3A_957 : vector<16xi32>
    %and3A_959 = arith.constant 127 : i32
    %and3A_960 = vector.broadcast %and3A_959 : i32 to vector<16xi32>
    %and3A_961 = arith.andi %get3A_931, %and3A_960 : vector<16xi32>
    %or3A_962 = arith.ori %or3A_958, %and3A_961 : vector<16xi32>
    %swap3A_963 = arith.constant 2 : i32
    %swap3A_964 = arith.index_cast %swap3A_963 : i32 to index
    %swap3A_965 = arith.constant 80 : index
    %swap3A_966 = tpu.vector_load %arg10[%swap3A_964, %swap3A_965] {strides = array<i32>} : memref<4x128xi32, #tpu.memory_space<vmem>>, vector<1x16xi32>,
    %swap3A_967 = vector.shape_cast %swap3A_966 : vector<1x16xi32> to vector<16xi32>
    %swap3A_968 = vector.shape_cast %or3A_962 : vector<16xi32> to vector<1x16xi32>
    tpu.vector_store %arg10[%swap3A_964, %swap3A_965], %swap3A_968 {strides = array<i32>} : memref<4x128xi32, #tpu.memory_space<vmem>>, vector<1x16xi32>,
    %get3A_969 = arith.constant 352 : index
    %get3A_970 = tpu.vector_load %arg7[%get3A_969] {strides = array<i32>} : memref<512xi32, #tpu.memory_space<vmem>>, vector<16xi32>,
    %get3A_971 = vector.shape_cast %get3A_970 : vector<16xi32> to vector<16xi32>
    %get3A_972 = arith.constant 352 : index
    %get3A_973 = tpu.vector_load %arg8[%get3A_972] {strides = array<i32>} : memref<512xi32, #tpu.memory_space<vmem>>, vector<16xi32>,
    %get3A_974 = vector.shape_cast %get3A_973 : vector<16xi32> to vector<16xi32>
    %get3A_975 = arith.constant 352 : index
    %get3A_976 = tpu.vector_load %arg9[%get3A_975] {strides = array<i32>} : memref<512xi32, #tpu.memory_space<vmem>>, vector<16xi32>,
    %get3A_977 = vector.shape_cast %get3A_976 : vector<16xi32> to vector<16xi32>
    %shift_left3A_978 = arith.constant 15 : i32
    %shift_left3A_979 = vector.broadcast %shift_left3A_978 : i32 to vector<16xi32>
    %shift_left3A_980 = arith.shli %get3A_971, %shift_left3A_979 : vector<16xi32>
    %shift_right_logical3A_981 = arith.constant 3 : i32
    %shift_right_logical3A_982 = vector.broadcast %shift_right_logical3A_981 : i32 to vector<16xi32>
    %shift_right_logical3A_983 = arith.shrui %get3A_977, %shift_right_logical3A_982 : vector<16xi32>
    %shift_left3A_984 = arith.constant 14 : i32
    %shift_left3A_985 = vector.broadcast %shift_left3A_984 : i32 to vector<16xi32>
    %shift_left3A_986 = arith.shli %shift_right_logical3A_983, %shift_left3A_985 : vector<16xi32>
    %or3A_987 = arith.ori %shift_left3A_980, %shift_left3A_986 : vector<16xi32>
    %shift_right_logical3A_988 = arith.constant 7 : i32
    %shift_right_logical3A_989 = vector.broadcast %shift_right_logical3A_988 : i32 to vector<16xi32>
    %shift_right_logical3A_990 = arith.shrui %get3A_974, %shift_right_logical3A_989 : vector<16xi32>
    %shift_left3A_991 = arith.constant 10 : i32
    %shift_left3A_992 = vector.broadcast %shift_left3A_991 : i32 to vector<16xi32>
    %shift_left3A_993 = arith.shli %shift_right_logical3A_990, %shift_left3A_992 : vector<16xi32>
    %or3A_994 = arith.ori %or3A_987, %shift_left3A_993 : vector<16xi32>
    %and3A_995 = arith.constant 7 : i32
    %and3A_996 = vector.broadcast %and3A_995 : i32 to vector<16xi32>
    %and3A_997 = arith.andi %get3A_977, %and3A_996 : vector<16xi32>
    %shift_left3A_998 = arith.constant 7 : i32
    %shift_left3A_999 = vector.broadcast %shift_left3A_998 : i32 to vector<16xi32>
    %shift_left3A_1000 = arith.shli %and3A_997, %shift_left3A_999 : vector<16xi32>
    %or3A_1001 = arith.ori %or3A_994, %shift_left3A_1000 : vector<16xi32>
    %and3A_1002 = arith.constant 127 : i32
    %and3A_1003 = vector.broadcast %and3A_1002 : i32 to vector<16xi32>
    %and3A_1004 = arith.andi %get3A_974, %and3A_1003 : vector<16xi32>
    %or3A_1005 = arith.ori %or3A_1001, %and3A_1004 : vector<16xi32>
    %swap3A_1006 = arith.constant 2 : i32
    %swap3A_1007 = arith.index_cast %swap3A_1006 : i32 to index
    %swap3A_1008 = arith.constant 96 : index
    %swap3A_1009 = tpu.vector_load %arg10[%swap3A_1007, %swap3A_1008] {strides = array<i32>} : memref<4x128xi32, #tpu.memory_space<vmem>>, vector<1x16xi32>,
    %swap3A_1010 = vector.shape_cast %swap3A_1009 : vector<1x16xi32> to vector<16xi32>
    %swap3A_1011 = vector.shape_cast %or3A_1005 : vector<16xi32> to vector<1x16xi32>
    tpu.vector_store %arg10[%swap3A_1007, %swap3A_1008], %swap3A_1011 {strides = array<i32>} : memref<4x128xi32, #tpu.memory_space<vmem>>, vector<1x16xi32>,
    %get3A_1012 = arith.constant 368 : index
    %get3A_1013 = tpu.vector_load %arg7[%get3A_1012] {strides = array<i32>} : memref<512xi32, #tpu.memory_space<vmem>>, vector<16xi32>,
    %get3A_1014 = vector.shape_cast %get3A_1013 : vector<16xi32> to vector<16xi32>
    %get3A_1015 = arith.constant 368 : index
    %get3A_1016 = tpu.vector_load %arg8[%get3A_1015] {strides = array<i32>} : memref<512xi32, #tpu.memory_space<vmem>>, vector<16xi32>,
    %get3A_1017 = vector.shape_cast %get3A_1016 : vector<16xi32> to vector<16xi32>
    %get3A_1018 = arith.constant 368 : index
    %get3A_1019 = tpu.vector_load %arg9[%get3A_1018] {strides = array<i32>} : memref<512xi32, #tpu.memory_space<vmem>>, vector<16xi32>,
    %get3A_1020 = vector.shape_cast %get3A_1019 : vector<16xi32> to vector<16xi32>
    %shift_left3A_1021 = arith.constant 15 : i32
    %shift_left3A_1022 = vector.broadcast %shift_left3A_1021 : i32 to vector<16xi32>
    %shift_left3A_1023 = arith.shli %get3A_1014, %shift_left3A_1022 : vector<16xi32>
    %shift_right_logical3A_1024 = arith.constant 3 : i32
    %shift_right_logical3A_1025 = vector.broadcast %shift_right_logical3A_1024 : i32 to vector<16xi32>
    %shift_right_logical3A_1026 = arith.shrui %get3A_1020, %shift_right_logical3A_1025 : vector<16xi32>
    %shift_left3A_1027 = arith.constant 14 : i32
    %shift_left3A_1028 = vector.broadcast %shift_left3A_1027 : i32 to vector<16xi32>
    %shift_left3A_1029 = arith.shli %shift_right_logical3A_1026, %shift_left3A_1028 : vector<16xi32>
    %or3A_1030 = arith.ori %shift_left3A_1023, %shift_left3A_1029 : vector<16xi32>
    %shift_right_logical3A_1031 = arith.constant 7 : i32
    %shift_right_logical3A_1032 = vector.broadcast %shift_right_logical3A_1031 : i32 to vector<16xi32>
    %shift_right_logical3A_1033 = arith.shrui %get3A_1017, %shift_right_logical3A_1032 : vector<16xi32>
    %shift_left3A_1034 = arith.constant 10 : i32
    %shift_left3A_1035 = vector.broadcast %shift_left3A_1034 : i32 to vector<16xi32>
    %shift_left3A_1036 = arith.shli %shift_right_logical3A_1033, %shift_left3A_1035 : vector<16xi32>
    %or3A_1037 = arith.ori %or3A_1030, %shift_left3A_1036 : vector<16xi32>
    %and3A_1038 = arith.constant 7 : i32
    %and3A_1039 = vector.broadcast %and3A_1038 : i32 to vector<16xi32>
    %and3A_1040 = arith.andi %get3A_1020, %and3A_1039 : vector<16xi32>
    %shift_left3A_1041 = arith.constant 7 : i32
    %shift_left3A_1042 = vector.broadcast %shift_left3A_1041 : i32 to vector<16xi32>
    %shift_left3A_1043 = arith.shli %and3A_1040, %shift_left3A_1042 : vector<16xi32>
    %or3A_1044 = arith.ori %or3A_1037, %shift_left3A_1043 : vector<16xi32>
    %and3A_1045 = arith.constant 127 : i32
    %and3A_1046 = vector.broadcast %and3A_1045 : i32 to vector<16xi32>
    %and3A_1047 = arith.andi %get3A_1017, %and3A_1046 : vector<16xi32>
    %or3A_1048 = arith.ori %or3A_1044, %and3A_1047 : vector<16xi32>
    %swap3A_1049 = arith.constant 2 : i32
    %swap3A_1050 = arith.index_cast %swap3A_1049 : i32 to index
    %swap3A_1051 = arith.constant 112 : index
    %swap3A_1052 = tpu.vector_load %arg10[%swap3A_1050, %swap3A_1051] {strides = array<i32>} : memref<4x128xi32, #tpu.memory_space<vmem>>, vector<1x16xi32>,
    %swap3A_1053 = vector.shape_cast %swap3A_1052 : vector<1x16xi32> to vector<16xi32>
    %swap3A_1054 = vector.shape_cast %or3A_1048 : vector<16xi32> to vector<1x16xi32>
    tpu.vector_store %arg10[%swap3A_1050, %swap3A_1051], %swap3A_1054 {strides = array<i32>} : memref<4x128xi32, #tpu.memory_space<vmem>>, vector<1x16xi32>,
    %dma_start3A_1055 = arith.constant 2 : i32
    %dma_start3A_1056 = arith.constant 256 : i32
    %dma_start3A_1057 = tpu.memref_slice %arg11[%dma_start3A_1056] : memref<512xf32, #tpu.memory_space<vmem>> -> memref<128xf32, #tpu.memory_space<vmem>>
    %dma_start3A_1058 = arith.constant 0 : i32
    %dma_start3A_1059 = tpu.memref_slice %arg10[%dma_start3A_1055, %dma_start3A_1058] : memref<4x128xi32, #tpu.memory_space<vmem>> -> memref<1x128xi32, #tpu.memory_space<vmem>>
    %dma_start3A_1060 = tpu.memref_squeeze %dma_start3A_1059 : memref<1x128xi32, #tpu.memory_space<vmem>> -> memref<128xi32, #tpu.memory_space<vmem>>
    %dma_start3A_1061 = arith.constant 0 : i32
    %dma_start3A_1062 = tpu.memref_slice %arg2[%dma_start3A_1061] : memref<67108864xf32, #tpu.memory_space<hbm>> -> memref<67108864xf32, #tpu.memory_space<hbm>>
    tpu.enqueue_indirect_dma source(%dma_start3A_1062 : memref<67108864xf32, #tpu.memory_space<hbm>>) target(%dma_start3A_1057 : memref<128xf32, #tpu.memory_space<vmem>>) offsets(%dma_start3A_1060 : memref<128xi32, #tpu.memory_space<vmem>>) semaphore(%arg13 : memref<!tpu.dma_semaphore, #tpu.memory_space<semaphore_mem>>)
    %get3A_1063 = arith.constant 384 : index
    %get3A_1064 = tpu.vector_load %arg7[%get3A_1063] {strides = array<i32>} : memref<512xi32, #tpu.memory_space<vmem>>, vector<16xi32>,
    %get3A_1065 = vector.shape_cast %get3A_1064 : vector<16xi32> to vector<16xi32>
    %get3A_1066 = arith.constant 384 : index
    %get3A_1067 = tpu.vector_load %arg8[%get3A_1066] {strides = array<i32>} : memref<512xi32, #tpu.memory_space<vmem>>, vector<16xi32>,
    %get3A_1068 = vector.shape_cast %get3A_1067 : vector<16xi32> to vector<16xi32>
    %get3A_1069 = arith.constant 384 : index
    %get3A_1070 = tpu.vector_load %arg9[%get3A_1069] {strides = array<i32>} : memref<512xi32, #tpu.memory_space<vmem>>, vector<16xi32>,
    %get3A_1071 = vector.shape_cast %get3A_1070 : vector<16xi32> to vector<16xi32>
    %shift_left3A_1072 = arith.constant 15 : i32
    %shift_left3A_1073 = vector.broadcast %shift_left3A_1072 : i32 to vector<16xi32>
    %shift_left3A_1074 = arith.shli %get3A_1065, %shift_left3A_1073 : vector<16xi32>
    %shift_right_logical3A_1075 = arith.constant 3 : i32
    %shift_right_logical3A_1076 = vector.broadcast %shift_right_logical3A_1075 : i32 to vector<16xi32>
    %shift_right_logical3A_1077 = arith.shrui %get3A_1071, %shift_right_logical3A_1076 : vector<16xi32>
    %shift_left3A_1078 = arith.constant 14 : i32
    %shift_left3A_1079 = vector.broadcast %shift_left3A_1078 : i32 to vector<16xi32>
    %shift_left3A_1080 = arith.shli %shift_right_logical3A_1077, %shift_left3A_1079 : vector<16xi32>
    %or3A_1081 = arith.ori %shift_left3A_1074, %shift_left3A_1080 : vector<16xi32>
    %shift_right_logical3A_1082 = arith.constant 7 : i32
    %shift_right_logical3A_1083 = vector.broadcast %shift_right_logical3A_1082 : i32 to vector<16xi32>
    %shift_right_logical3A_1084 = arith.shrui %get3A_1068, %shift_right_logical3A_1083 : vector<16xi32>
    %shift_left3A_1085 = arith.constant 10 : i32
    %shift_left3A_1086 = vector.broadcast %shift_left3A_1085 : i32 to vector<16xi32>
    %shift_left3A_1087 = arith.shli %shift_right_logical3A_1084, %shift_left3A_1086 : vector<16xi32>
    %or3A_1088 = arith.ori %or3A_1081, %shift_left3A_1087 : vector<16xi32>
    %and3A_1089 = arith.constant 7 : i32
    %and3A_1090 = vector.broadcast %and3A_1089 : i32 to vector<16xi32>
    %and3A_1091 = arith.andi %get3A_1071, %and3A_1090 : vector<16xi32>
    %shift_left3A_1092 = arith.constant 7 : i32
    %shift_left3A_1093 = vector.broadcast %shift_left3A_1092 : i32 to vector<16xi32>
    %shift_left3A_1094 = arith.shli %and3A_1091, %shift_left3A_1093 : vector<16xi32>
    %or3A_1095 = arith.ori %or3A_1088, %shift_left3A_1094 : vector<16xi32>
    %and3A_1096 = arith.constant 127 : i32
    %and3A_1097 = vector.broadcast %and3A_1096 : i32 to vector<16xi32>
    %and3A_1098 = arith.andi %get3A_1068, %and3A_1097 : vector<16xi32>
    %or3A_1099 = arith.ori %or3A_1095, %and3A_1098 : vector<16xi32>
    %swap3A_1100 = arith.constant 3 : i32
    %swap3A_1101 = arith.index_cast %swap3A_1100 : i32 to index
    %swap3A_1102 = arith.constant 0 : index
    %swap3A_1103 = tpu.vector_load %arg10[%swap3A_1101, %swap3A_1102] {strides = array<i32>} : memref<4x128xi32, #tpu.memory_space<vmem>>, vector<1x16xi32>,
    %swap3A_1104 = vector.shape_cast %swap3A_1103 : vector<1x16xi32> to vector<16xi32>
    %swap3A_1105 = vector.shape_cast %or3A_1099 : vector<16xi32> to vector<1x16xi32>
    tpu.vector_store %arg10[%swap3A_1101, %swap3A_1102], %swap3A_1105 {strides = array<i32>} : memref<4x128xi32, #tpu.memory_space<vmem>>, vector<1x16xi32>,
    %get3A_1106 = arith.constant 400 : index
    %get3A_1107 = tpu.vector_load %arg7[%get3A_1106] {strides = array<i32>} : memref<512xi32, #tpu.memory_space<vmem>>, vector<16xi32>,
    %get3A_1108 = vector.shape_cast %get3A_1107 : vector<16xi32> to vector<16xi32>
    %get3A_1109 = arith.constant 400 : index
    %get3A_1110 = tpu.vector_load %arg8[%get3A_1109] {strides = array<i32>} : memref<512xi32, #tpu.memory_space<vmem>>, vector<16xi32>,
    %get3A_1111 = vector.shape_cast %get3A_1110 : vector<16xi32> to vector<16xi32>
    %get3A_1112 = arith.constant 400 : index
    %get3A_1113 = tpu.vector_load %arg9[%get3A_1112] {strides = array<i32>} : memref<512xi32, #tpu.memory_space<vmem>>, vector<16xi32>,
    %get3A_1114 = vector.shape_cast %get3A_1113 : vector<16xi32> to vector<16xi32>
    %shift_left3A_1115 = arith.constant 15 : i32
    %shift_left3A_1116 = vector.broadcast %shift_left3A_1115 : i32 to vector<16xi32>
    %shift_left3A_1117 = arith.shli %get3A_1108, %shift_left3A_1116 : vector<16xi32>
    %shift_right_logical3A_1118 = arith.constant 3 : i32
    %shift_right_logical3A_1119 = vector.broadcast %shift_right_logical3A_1118 : i32 to vector<16xi32>
    %shift_right_logical3A_1120 = arith.shrui %get3A_1114, %shift_right_logical3A_1119 : vector<16xi32>
    %shift_left3A_1121 = arith.constant 14 : i32
    %shift_left3A_1122 = vector.broadcast %shift_left3A_1121 : i32 to vector<16xi32>
    %shift_left3A_1123 = arith.shli %shift_right_logical3A_1120, %shift_left3A_1122 : vector<16xi32>
    %or3A_1124 = arith.ori %shift_left3A_1117, %shift_left3A_1123 : vector<16xi32>
    %shift_right_logical3A_1125 = arith.constant 7 : i32
    %shift_right_logical3A_1126 = vector.broadcast %shift_right_logical3A_1125 : i32 to vector<16xi32>
    %shift_right_logical3A_1127 = arith.shrui %get3A_1111, %shift_right_logical3A_1126 : vector<16xi32>
    %shift_left3A_1128 = arith.constant 10 : i32
    %shift_left3A_1129 = vector.broadcast %shift_left3A_1128 : i32 to vector<16xi32>
    %shift_left3A_1130 = arith.shli %shift_right_logical3A_1127, %shift_left3A_1129 : vector<16xi32>
    %or3A_1131 = arith.ori %or3A_1124, %shift_left3A_1130 : vector<16xi32>
    %and3A_1132 = arith.constant 7 : i32
    %and3A_1133 = vector.broadcast %and3A_1132 : i32 to vector<16xi32>
    %and3A_1134 = arith.andi %get3A_1114, %and3A_1133 : vector<16xi32>
    %shift_left3A_1135 = arith.constant 7 : i32
    %shift_left3A_1136 = vector.broadcast %shift_left3A_1135 : i32 to vector<16xi32>
    %shift_left3A_1137 = arith.shli %and3A_1134, %shift_left3A_1136 : vector<16xi32>
    %or3A_1138 = arith.ori %or3A_1131, %shift_left3A_1137 : vector<16xi32>
    %and3A_1139 = arith.constant 127 : i32
    %and3A_1140 = vector.broadcast %and3A_1139 : i32 to vector<16xi32>
    %and3A_1141 = arith.andi %get3A_1111, %and3A_1140 : vector<16xi32>
    %or3A_1142 = arith.ori %or3A_1138, %and3A_1141 : vector<16xi32>
    %swap3A_1143 = arith.constant 3 : i32
    %swap3A_1144 = arith.index_cast %swap3A_1143 : i32 to index
    %swap3A_1145 = arith.constant 16 : index
    %swap3A_1146 = tpu.vector_load %arg10[%swap3A_1144, %swap3A_1145] {strides = array<i32>} : memref<4x128xi32, #tpu.memory_space<vmem>>, vector<1x16xi32>,
    %swap3A_1147 = vector.shape_cast %swap3A_1146 : vector<1x16xi32> to vector<16xi32>
    %swap3A_1148 = vector.shape_cast %or3A_1142 : vector<16xi32> to vector<1x16xi32>
    tpu.vector_store %arg10[%swap3A_1144, %swap3A_1145], %swap3A_1148 {strides = array<i32>} : memref<4x128xi32, #tpu.memory_space<vmem>>, vector<1x16xi32>,
    %get3A_1149 = arith.constant 416 : index
    %get3A_1150 = tpu.vector_load %arg7[%get3A_1149] {strides = array<i32>} : memref<512xi32, #tpu.memory_space<vmem>>, vector<16xi32>,
    %get3A_1151 = vector.shape_cast %get3A_1150 : vector<16xi32> to vector<16xi32>
    %get3A_1152 = arith.constant 416 : index
    %get3A_1153 = tpu.vector_load %arg8[%get3A_1152] {strides = array<i32>} : memref<512xi32, #tpu.memory_space<vmem>>, vector<16xi32>,
    %get3A_1154 = vector.shape_cast %get3A_1153 : vector<16xi32> to vector<16xi32>
    %get3A_1155 = arith.constant 416 : index
    %get3A_1156 = tpu.vector_load %arg9[%get3A_1155] {strides = array<i32>} : memref<512xi32, #tpu.memory_space<vmem>>, vector<16xi32>,
    %get3A_1157 = vector.shape_cast %get3A_1156 : vector<16xi32> to vector<16xi32>
    %shift_left3A_1158 = arith.constant 15 : i32
    %shift_left3A_1159 = vector.broadcast %shift_left3A_1158 : i32 to vector<16xi32>
    %shift_left3A_1160 = arith.shli %get3A_1151, %shift_left3A_1159 : vector<16xi32>
    %shift_right_logical3A_1161 = arith.constant 3 : i32
    %shift_right_logical3A_1162 = vector.broadcast %shift_right_logical3A_1161 : i32 to vector<16xi32>
    %shift_right_logical3A_1163 = arith.shrui %get3A_1157, %shift_right_logical3A_1162 : vector<16xi32>
    %shift_left3A_1164 = arith.constant 14 : i32
    %shift_left3A_1165 = vector.broadcast %shift_left3A_1164 : i32 to vector<16xi32>
    %shift_left3A_1166 = arith.shli %shift_right_logical3A_1163, %shift_left3A_1165 : vector<16xi32>
    %or3A_1167 = arith.ori %shift_left3A_1160, %shift_left3A_1166 : vector<16xi32>
    %shift_right_logical3A_1168 = arith.constant 7 : i32
    %shift_right_logical3A_1169 = vector.broadcast %shift_right_logical3A_1168 : i32 to vector<16xi32>
    %shift_right_logical3A_1170 = arith.shrui %get3A_1154, %shift_right_logical3A_1169 : vector<16xi32>
    %shift_left3A_1171 = arith.constant 10 : i32
    %shift_left3A_1172 = vector.broadcast %shift_left3A_1171 : i32 to vector<16xi32>
    %shift_left3A_1173 = arith.shli %shift_right_logical3A_1170, %shift_left3A_1172 : vector<16xi32>
    %or3A_1174 = arith.ori %or3A_1167, %shift_left3A_1173 : vector<16xi32>
    %and3A_1175 = arith.constant 7 : i32
    %and3A_1176 = vector.broadcast %and3A_1175 : i32 to vector<16xi32>
    %and3A_1177 = arith.andi %get3A_1157, %and3A_1176 : vector<16xi32>
    %shift_left3A_1178 = arith.constant 7 : i32
    %shift_left3A_1179 = vector.broadcast %shift_left3A_1178 : i32 to vector<16xi32>
    %shift_left3A_1180 = arith.shli %and3A_1177, %shift_left3A_1179 : vector<16xi32>
    %or3A_1181 = arith.ori %or3A_1174, %shift_left3A_1180 : vector<16xi32>
    %and3A_1182 = arith.constant 127 : i32
    %and3A_1183 = vector.broadcast %and3A_1182 : i32 to vector<16xi32>
    %and3A_1184 = arith.andi %get3A_1154, %and3A_1183 : vector<16xi32>
    %or3A_1185 = arith.ori %or3A_1181, %and3A_1184 : vector<16xi32>
    %swap3A_1186 = arith.constant 3 : i32
    %swap3A_1187 = arith.index_cast %swap3A_1186 : i32 to index
    %swap3A_1188 = arith.constant 32 : index
    %swap3A_1189 = tpu.vector_load %arg10[%swap3A_1187, %swap3A_1188] {strides = array<i32>} : memref<4x128xi32, #tpu.memory_space<vmem>>, vector<1x16xi32>,
    %swap3A_1190 = vector.shape_cast %swap3A_1189 : vector<1x16xi32> to vector<16xi32>
    %swap3A_1191 = vector.shape_cast %or3A_1185 : vector<16xi32> to vector<1x16xi32>
    tpu.vector_store %arg10[%swap3A_1187, %swap3A_1188], %swap3A_1191 {strides = array<i32>} : memref<4x128xi32, #tpu.memory_space<vmem>>, vector<1x16xi32>,
    %get3A_1192 = arith.constant 432 : index
    %get3A_1193 = tpu.vector_load %arg7[%get3A_1192] {strides = array<i32>} : memref<512xi32, #tpu.memory_space<vmem>>, vector<16xi32>,
    %get3A_1194 = vector.shape_cast %get3A_1193 : vector<16xi32> to vector<16xi32>
    %get3A_1195 = arith.constant 432 : index
    %get3A_1196 = tpu.vector_load %arg8[%get3A_1195] {strides = array<i32>} : memref<512xi32, #tpu.memory_space<vmem>>, vector<16xi32>,
    %get3A_1197 = vector.shape_cast %get3A_1196 : vector<16xi32> to vector<16xi32>
    %get3A_1198 = arith.constant 432 : index
    %get3A_1199 = tpu.vector_load %arg9[%get3A_1198] {strides = array<i32>} : memref<512xi32, #tpu.memory_space<vmem>>, vector<16xi32>,
    %get3A_1200 = vector.shape_cast %get3A_1199 : vector<16xi32> to vector<16xi32>
    %shift_left3A_1201 = arith.constant 15 : i32
    %shift_left3A_1202 = vector.broadcast %shift_left3A_1201 : i32 to vector<16xi32>
    %shift_left3A_1203 = arith.shli %get3A_1194, %shift_left3A_1202 : vector<16xi32>
    %shift_right_logical3A_1204 = arith.constant 3 : i32
    %shift_right_logical3A_1205 = vector.broadcast %shift_right_logical3A_1204 : i32 to vector<16xi32>
    %shift_right_logical3A_1206 = arith.shrui %get3A_1200, %shift_right_logical3A_1205 : vector<16xi32>
    %shift_left3A_1207 = arith.constant 14 : i32
    %shift_left3A_1208 = vector.broadcast %shift_left3A_1207 : i32 to vector<16xi32>
    %shift_left3A_1209 = arith.shli %shift_right_logical3A_1206, %shift_left3A_1208 : vector<16xi32>
    %or3A_1210 = arith.ori %shift_left3A_1203, %shift_left3A_1209 : vector<16xi32>
    %shift_right_logical3A_1211 = arith.constant 7 : i32
    %shift_right_logical3A_1212 = vector.broadcast %shift_right_logical3A_1211 : i32 to vector<16xi32>
    %shift_right_logical3A_1213 = arith.shrui %get3A_1197, %shift_right_logical3A_1212 : vector<16xi32>
    %shift_left3A_1214 = arith.constant 10 : i32
    %shift_left3A_1215 = vector.broadcast %shift_left3A_1214 : i32 to vector<16xi32>
    %shift_left3A_1216 = arith.shli %shift_right_logical3A_1213, %shift_left3A_1215 : vector<16xi32>
    %or3A_1217 = arith.ori %or3A_1210, %shift_left3A_1216 : vector<16xi32>
    %and3A_1218 = arith.constant 7 : i32
    %and3A_1219 = vector.broadcast %and3A_1218 : i32 to vector<16xi32>
    %and3A_1220 = arith.andi %get3A_1200, %and3A_1219 : vector<16xi32>
    %shift_left3A_1221 = arith.constant 7 : i32
    %shift_left3A_1222 = vector.broadcast %shift_left3A_1221 : i32 to vector<16xi32>
    %shift_left3A_1223 = arith.shli %and3A_1220, %shift_left3A_1222 : vector<16xi32>
    %or3A_1224 = arith.ori %or3A_1217, %shift_left3A_1223 : vector<16xi32>
    %and3A_1225 = arith.constant 127 : i32
    %and3A_1226 = vector.broadcast %and3A_1225 : i32 to vector<16xi32>
    %and3A_1227 = arith.andi %get3A_1197, %and3A_1226 : vector<16xi32>
    %or3A_1228 = arith.ori %or3A_1224, %and3A_1227 : vector<16xi32>
    %swap3A_1229 = arith.constant 3 : i32
    %swap3A_1230 = arith.index_cast %swap3A_1229 : i32 to index
    %swap3A_1231 = arith.constant 48 : index
    %swap3A_1232 = tpu.vector_load %arg10[%swap3A_1230, %swap3A_1231] {strides = array<i32>} : memref<4x128xi32, #tpu.memory_space<vmem>>, vector<1x16xi32>,
    %swap3A_1233 = vector.shape_cast %swap3A_1232 : vector<1x16xi32> to vector<16xi32>
    %swap3A_1234 = vector.shape_cast %or3A_1228 : vector<16xi32> to vector<1x16xi32>
    tpu.vector_store %arg10[%swap3A_1230, %swap3A_1231], %swap3A_1234 {strides = array<i32>} : memref<4x128xi32, #tpu.memory_space<vmem>>, vector<1x16xi32>,
    %get3A_1235 = arith.constant 448 : index
    %get3A_1236 = tpu.vector_load %arg7[%get3A_1235] {strides = array<i32>} : memref<512xi32, #tpu.memory_space<vmem>>, vector<16xi32>,
    %get3A_1237 = vector.shape_cast %get3A_1236 : vector<16xi32> to vector<16xi32>
    %get3A_1238 = arith.constant 448 : index
    %get3A_1239 = tpu.vector_load %arg8[%get3A_1238] {strides = array<i32>} : memref<512xi32, #tpu.memory_space<vmem>>, vector<16xi32>,
    %get3A_1240 = vector.shape_cast %get3A_1239 : vector<16xi32> to vector<16xi32>
    %get3A_1241 = arith.constant 448 : index
    %get3A_1242 = tpu.vector_load %arg9[%get3A_1241] {strides = array<i32>} : memref<512xi32, #tpu.memory_space<vmem>>, vector<16xi32>,
    %get3A_1243 = vector.shape_cast %get3A_1242 : vector<16xi32> to vector<16xi32>
    %shift_left3A_1244 = arith.constant 15 : i32
    %shift_left3A_1245 = vector.broadcast %shift_left3A_1244 : i32 to vector<16xi32>
    %shift_left3A_1246 = arith.shli %get3A_1237, %shift_left3A_1245 : vector<16xi32>
    %shift_right_logical3A_1247 = arith.constant 3 : i32
    %shift_right_logical3A_1248 = vector.broadcast %shift_right_logical3A_1247 : i32 to vector<16xi32>
    %shift_right_logical3A_1249 = arith.shrui %get3A_1243, %shift_right_logical3A_1248 : vector<16xi32>
    %shift_left3A_1250 = arith.constant 14 : i32
    %shift_left3A_1251 = vector.broadcast %shift_left3A_1250 : i32 to vector<16xi32>
    %shift_left3A_1252 = arith.shli %shift_right_logical3A_1249, %shift_left3A_1251 : vector<16xi32>
    %or3A_1253 = arith.ori %shift_left3A_1246, %shift_left3A_1252 : vector<16xi32>
    %shift_right_logical3A_1254 = arith.constant 7 : i32
    %shift_right_logical3A_1255 = vector.broadcast %shift_right_logical3A_1254 : i32 to vector<16xi32>
    %shift_right_logical3A_1256 = arith.shrui %get3A_1240, %shift_right_logical3A_1255 : vector<16xi32>
    %shift_left3A_1257 = arith.constant 10 : i32
    %shift_left3A_1258 = vector.broadcast %shift_left3A_1257 : i32 to vector<16xi32>
    %shift_left3A_1259 = arith.shli %shift_right_logical3A_1256, %shift_left3A_1258 : vector<16xi32>
    %or3A_1260 = arith.ori %or3A_1253, %shift_left3A_1259 : vector<16xi32>
    %and3A_1261 = arith.constant 7 : i32
    %and3A_1262 = vector.broadcast %and3A_1261 : i32 to vector<16xi32>
    %and3A_1263 = arith.andi %get3A_1243, %and3A_1262 : vector<16xi32>
    %shift_left3A_1264 = arith.constant 7 : i32
    %shift_left3A_1265 = vector.broadcast %shift_left3A_1264 : i32 to vector<16xi32>
    %shift_left3A_1266 = arith.shli %and3A_1263, %shift_left3A_1265 : vector<16xi32>
    %or3A_1267 = arith.ori %or3A_1260, %shift_left3A_1266 : vector<16xi32>
    %and3A_1268 = arith.constant 127 : i32
    %and3A_1269 = vector.broadcast %and3A_1268 : i32 to vector<16xi32>
    %and3A_1270 = arith.andi %get3A_1240, %and3A_1269 : vector<16xi32>
    %or3A_1271 = arith.ori %or3A_1267, %and3A_1270 : vector<16xi32>
    %swap3A_1272 = arith.constant 3 : i32
    %swap3A_1273 = arith.index_cast %swap3A_1272 : i32 to index
    %swap3A_1274 = arith.constant 64 : index
    %swap3A_1275 = tpu.vector_load %arg10[%swap3A_1273, %swap3A_1274] {strides = array<i32>} : memref<4x128xi32, #tpu.memory_space<vmem>>, vector<1x16xi32>,
    %swap3A_1276 = vector.shape_cast %swap3A_1275 : vector<1x16xi32> to vector<16xi32>
    %swap3A_1277 = vector.shape_cast %or3A_1271 : vector<16xi32> to vector<1x16xi32>
    tpu.vector_store %arg10[%swap3A_1273, %swap3A_1274], %swap3A_1277 {strides = array<i32>} : memref<4x128xi32, #tpu.memory_space<vmem>>, vector<1x16xi32>,
    %get3A_1278 = arith.constant 464 : index
    %get3A_1279 = tpu.vector_load %arg7[%get3A_1278] {strides = array<i32>} : memref<512xi32, #tpu.memory_space<vmem>>, vector<16xi32>,
    %get3A_1280 = vector.shape_cast %get3A_1279 : vector<16xi32> to vector<16xi32>
    %get3A_1281 = arith.constant 464 : index
    %get3A_1282 = tpu.vector_load %arg8[%get3A_1281] {strides = array<i32>} : memref<512xi32, #tpu.memory_space<vmem>>, vector<16xi32>,
    %get3A_1283 = vector.shape_cast %get3A_1282 : vector<16xi32> to vector<16xi32>
    %get3A_1284 = arith.constant 464 : index
    %get3A_1285 = tpu.vector_load %arg9[%get3A_1284] {strides = array<i32>} : memref<512xi32, #tpu.memory_space<vmem>>, vector<16xi32>,
    %get3A_1286 = vector.shape_cast %get3A_1285 : vector<16xi32> to vector<16xi32>
    %shift_left3A_1287 = arith.constant 15 : i32
    %shift_left3A_1288 = vector.broadcast %shift_left3A_1287 : i32 to vector<16xi32>
    %shift_left3A_1289 = arith.shli %get3A_1280, %shift_left3A_1288 : vector<16xi32>
    %shift_right_logical3A_1290 = arith.constant 3 : i32
    %shift_right_logical3A_1291 = vector.broadcast %shift_right_logical3A_1290 : i32 to vector<16xi32>
    %shift_right_logical3A_1292 = arith.shrui %get3A_1286, %shift_right_logical3A_1291 : vector<16xi32>
    %shift_left3A_1293 = arith.constant 14 : i32
    %shift_left3A_1294 = vector.broadcast %shift_left3A_1293 : i32 to vector<16xi32>
    %shift_left3A_1295 = arith.shli %shift_right_logical3A_1292, %shift_left3A_1294 : vector<16xi32>
    %or3A_1296 = arith.ori %shift_left3A_1289, %shift_left3A_1295 : vector<16xi32>
    %shift_right_logical3A_1297 = arith.constant 7 : i32
    %shift_right_logical3A_1298 = vector.broadcast %shift_right_logical3A_1297 : i32 to vector<16xi32>
    %shift_right_logical3A_1299 = arith.shrui %get3A_1283, %shift_right_logical3A_1298 : vector<16xi32>
    %shift_left3A_1300 = arith.constant 10 : i32
    %shift_left3A_1301 = vector.broadcast %shift_left3A_1300 : i32 to vector<16xi32>
    %shift_left3A_1302 = arith.shli %shift_right_logical3A_1299, %shift_left3A_1301 : vector<16xi32>
    %or3A_1303 = arith.ori %or3A_1296, %shift_left3A_1302 : vector<16xi32>
    %and3A_1304 = arith.constant 7 : i32
    %and3A_1305 = vector.broadcast %and3A_1304 : i32 to vector<16xi32>
    %and3A_1306 = arith.andi %get3A_1286, %and3A_1305 : vector<16xi32>
    %shift_left3A_1307 = arith.constant 7 : i32
    %shift_left3A_1308 = vector.broadcast %shift_left3A_1307 : i32 to vector<16xi32>
    %shift_left3A_1309 = arith.shli %and3A_1306, %shift_left3A_1308 : vector<16xi32>
    %or3A_1310 = arith.ori %or3A_1303, %shift_left3A_1309 : vector<16xi32>
    %and3A_1311 = arith.constant 127 : i32
    %and3A_1312 = vector.broadcast %and3A_1311 : i32 to vector<16xi32>
    %and3A_1313 = arith.andi %get3A_1283, %and3A_1312 : vector<16xi32>
    %or3A_1314 = arith.ori %or3A_1310, %and3A_1313 : vector<16xi32>
    %swap3A_1315 = arith.constant 3 : i32
    %swap3A_1316 = arith.index_cast %swap3A_1315 : i32 to index
    %swap3A_1317 = arith.constant 80 : index
    %swap3A_1318 = tpu.vector_load %arg10[%swap3A_1316, %swap3A_1317] {strides = array<i32>} : memref<4x128xi32, #tpu.memory_space<vmem>>, vector<1x16xi32>,
    %swap3A_1319 = vector.shape_cast %swap3A_1318 : vector<1x16xi32> to vector<16xi32>
    %swap3A_1320 = vector.shape_cast %or3A_1314 : vector<16xi32> to vector<1x16xi32>
    tpu.vector_store %arg10[%swap3A_1316, %swap3A_1317], %swap3A_1320 {strides = array<i32>} : memref<4x128xi32, #tpu.memory_space<vmem>>, vector<1x16xi32>,
    %get3A_1321 = arith.constant 480 : index
    %get3A_1322 = tpu.vector_load %arg7[%get3A_1321] {strides = array<i32>} : memref<512xi32, #tpu.memory_space<vmem>>, vector<16xi32>,
    %get3A_1323 = vector.shape_cast %get3A_1322 : vector<16xi32> to vector<16xi32>
    %get3A_1324 = arith.constant 480 : index
    %get3A_1325 = tpu.vector_load %arg8[%get3A_1324] {strides = array<i32>} : memref<512xi32, #tpu.memory_space<vmem>>, vector<16xi32>,
    %get3A_1326 = vector.shape_cast %get3A_1325 : vector<16xi32> to vector<16xi32>
    %get3A_1327 = arith.constant 480 : index
    %get3A_1328 = tpu.vector_load %arg9[%get3A_1327] {strides = array<i32>} : memref<512xi32, #tpu.memory_space<vmem>>, vector<16xi32>,
    %get3A_1329 = vector.shape_cast %get3A_1328 : vector<16xi32> to vector<16xi32>
    %shift_left3A_1330 = arith.constant 15 : i32
    %shift_left3A_1331 = vector.broadcast %shift_left3A_1330 : i32 to vector<16xi32>
    %shift_left3A_1332 = arith.shli %get3A_1323, %shift_left3A_1331 : vector<16xi32>
    %shift_right_logical3A_1333 = arith.constant 3 : i32
    %shift_right_logical3A_1334 = vector.broadcast %shift_right_logical3A_1333 : i32 to vector<16xi32>
    %shift_right_logical3A_1335 = arith.shrui %get3A_1329, %shift_right_logical3A_1334 : vector<16xi32>
    %shift_left3A_1336 = arith.constant 14 : i32
    %shift_left3A_1337 = vector.broadcast %shift_left3A_1336 : i32 to vector<16xi32>
    %shift_left3A_1338 = arith.shli %shift_right_logical3A_1335, %shift_left3A_1337 : vector<16xi32>
    %or3A_1339 = arith.ori %shift_left3A_1332, %shift_left3A_1338 : vector<16xi32>
    %shift_right_logical3A_1340 = arith.constant 7 : i32
    %shift_right_logical3A_1341 = vector.broadcast %shift_right_logical3A_1340 : i32 to vector<16xi32>
    %shift_right_logical3A_1342 = arith.shrui %get3A_1326, %shift_right_logical3A_1341 : vector<16xi32>
    %shift_left3A_1343 = arith.constant 10 : i32
    %shift_left3A_1344 = vector.broadcast %shift_left3A_1343 : i32 to vector<16xi32>
    %shift_left3A_1345 = arith.shli %shift_right_logical3A_1342, %shift_left3A_1344 : vector<16xi32>
    %or3A_1346 = arith.ori %or3A_1339, %shift_left3A_1345 : vector<16xi32>
    %and3A_1347 = arith.constant 7 : i32
    %and3A_1348 = vector.broadcast %and3A_1347 : i32 to vector<16xi32>
    %and3A_1349 = arith.andi %get3A_1329, %and3A_1348 : vector<16xi32>
    %shift_left3A_1350 = arith.constant 7 : i32
    %shift_left3A_1351 = vector.broadcast %shift_left3A_1350 : i32 to vector<16xi32>
    %shift_left3A_1352 = arith.shli %and3A_1349, %shift_left3A_1351 : vector<16xi32>
    %or3A_1353 = arith.ori %or3A_1346, %shift_left3A_1352 : vector<16xi32>
    %and3A_1354 = arith.constant 127 : i32
    %and3A_1355 = vector.broadcast %and3A_1354 : i32 to vector<16xi32>
    %and3A_1356 = arith.andi %get3A_1326, %and3A_1355 : vector<16xi32>
    %or3A_1357 = arith.ori %or3A_1353, %and3A_1356 : vector<16xi32>
    %swap3A_1358 = arith.constant 3 : i32
    %swap3A_1359 = arith.index_cast %swap3A_1358 : i32 to index
    %swap3A_1360 = arith.constant 96 : index
    %swap3A_1361 = tpu.vector_load %arg10[%swap3A_1359, %swap3A_1360] {strides = array<i32>} : memref<4x128xi32, #tpu.memory_space<vmem>>, vector<1x16xi32>,
    %swap3A_1362 = vector.shape_cast %swap3A_1361 : vector<1x16xi32> to vector<16xi32>
    %swap3A_1363 = vector.shape_cast %or3A_1357 : vector<16xi32> to vector<1x16xi32>
    tpu.vector_store %arg10[%swap3A_1359, %swap3A_1360], %swap3A_1363 {strides = array<i32>} : memref<4x128xi32, #tpu.memory_space<vmem>>, vector<1x16xi32>,
    %get3A_1364 = arith.constant 496 : index
    %get3A_1365 = tpu.vector_load %arg7[%get3A_1364] {strides = array<i32>} : memref<512xi32, #tpu.memory_space<vmem>>, vector<16xi32>,
    %get3A_1366 = vector.shape_cast %get3A_1365 : vector<16xi32> to vector<16xi32>
    %get3A_1367 = arith.constant 496 : index
    %get3A_1368 = tpu.vector_load %arg8[%get3A_1367] {strides = array<i32>} : memref<512xi32, #tpu.memory_space<vmem>>, vector<16xi32>,
    %get3A_1369 = vector.shape_cast %get3A_1368 : vector<16xi32> to vector<16xi32>
    %get3A_1370 = arith.constant 496 : index
    %get3A_1371 = tpu.vector_load %arg9[%get3A_1370] {strides = array<i32>} : memref<512xi32, #tpu.memory_space<vmem>>, vector<16xi32>,
    %get3A_1372 = vector.shape_cast %get3A_1371 : vector<16xi32> to vector<16xi32>
    %shift_left3A_1373 = arith.constant 15 : i32
    %shift_left3A_1374 = vector.broadcast %shift_left3A_1373 : i32 to vector<16xi32>
    %shift_left3A_1375 = arith.shli %get3A_1366, %shift_left3A_1374 : vector<16xi32>
    %shift_right_logical3A_1376 = arith.constant 3 : i32
    %shift_right_logical3A_1377 = vector.broadcast %shift_right_logical3A_1376 : i32 to vector<16xi32>
    %shift_right_logical3A_1378 = arith.shrui %get3A_1372, %shift_right_logical3A_1377 : vector<16xi32>
    %shift_left3A_1379 = arith.constant 14 : i32
    %shift_left3A_1380 = vector.broadcast %shift_left3A_1379 : i32 to vector<16xi32>
    %shift_left3A_1381 = arith.shli %shift_right_logical3A_1378, %shift_left3A_1380 : vector<16xi32>
    %or3A_1382 = arith.ori %shift_left3A_1375, %shift_left3A_1381 : vector<16xi32>
    %shift_right_logical3A_1383 = arith.constant 7 : i32
    %shift_right_logical3A_1384 = vector.broadcast %shift_right_logical3A_1383 : i32 to vector<16xi32>
    %shift_right_logical3A_1385 = arith.shrui %get3A_1369, %shift_right_logical3A_1384 : vector<16xi32>
    %shift_left3A_1386 = arith.constant 10 : i32
    %shift_left3A_1387 = vector.broadcast %shift_left3A_1386 : i32 to vector<16xi32>
    %shift_left3A_1388 = arith.shli %shift_right_logical3A_1385, %shift_left3A_1387 : vector<16xi32>
    %or3A_1389 = arith.ori %or3A_1382, %shift_left3A_1388 : vector<16xi32>
    %and3A_1390 = arith.constant 7 : i32
    %and3A_1391 = vector.broadcast %and3A_1390 : i32 to vector<16xi32>
    %and3A_1392 = arith.andi %get3A_1372, %and3A_1391 : vector<16xi32>
    %shift_left3A_1393 = arith.constant 7 : i32
    %shift_left3A_1394 = vector.broadcast %shift_left3A_1393 : i32 to vector<16xi32>
    %shift_left3A_1395 = arith.shli %and3A_1392, %shift_left3A_1394 : vector<16xi32>
    %or3A_1396 = arith.ori %or3A_1389, %shift_left3A_1395 : vector<16xi32>
    %and3A_1397 = arith.constant 127 : i32
    %and3A_1398 = vector.broadcast %and3A_1397 : i32 to vector<16xi32>
    %and3A_1399 = arith.andi %get3A_1369, %and3A_1398 : vector<16xi32>
    %or3A_1400 = arith.ori %or3A_1396, %and3A_1399 : vector<16xi32>
    %swap3A_1401 = arith.constant 3 : i32
    %swap3A_1402 = arith.index_cast %swap3A_1401 : i32 to index
    %swap3A_1403 = arith.constant 112 : index
    %swap3A_1404 = tpu.vector_load %arg10[%swap3A_1402, %swap3A_1403] {strides = array<i32>} : memref<4x128xi32, #tpu.memory_space<vmem>>, vector<1x16xi32>,
    %swap3A_1405 = vector.shape_cast %swap3A_1404 : vector<1x16xi32> to vector<16xi32>
    %swap3A_1406 = vector.shape_cast %or3A_1400 : vector<16xi32> to vector<1x16xi32>
    tpu.vector_store %arg10[%swap3A_1402, %swap3A_1403], %swap3A_1406 {strides = array<i32>} : memref<4x128xi32, #tpu.memory_space<vmem>>, vector<1x16xi32>,
    %dma_start3A_1407 = arith.constant 3 : i32
    %dma_start3A_1408 = arith.constant 384 : i32
    %dma_start3A_1409 = tpu.memref_slice %arg11[%dma_start3A_1408] : memref<512xf32, #tpu.memory_space<vmem>> -> memref<128xf32, #tpu.memory_space<vmem>>
    %dma_start3A_1410 = arith.constant 0 : i32
    %dma_start3A_1411 = tpu.memref_slice %arg10[%dma_start3A_1407, %dma_start3A_1410] : memref<4x128xi32, #tpu.memory_space<vmem>> -> memref<1x128xi32, #tpu.memory_space<vmem>>
    %dma_start3A_1412 = tpu.memref_squeeze %dma_start3A_1411 : memref<1x128xi32, #tpu.memory_space<vmem>> -> memref<128xi32, #tpu.memory_space<vmem>>
    %dma_start3A_1413 = arith.constant 0 : i32
    %dma_start3A_1414 = tpu.memref_slice %arg2[%dma_start3A_1413] : memref<67108864xf32, #tpu.memory_space<hbm>> -> memref<67108864xf32, #tpu.memory_space<hbm>>
    tpu.enqueue_indirect_dma source(%dma_start3A_1414 : memref<67108864xf32, #tpu.memory_space<hbm>>) target(%dma_start3A_1409 : memref<128xf32, #tpu.memory_space<vmem>>) offsets(%dma_start3A_1412 : memref<128xi32, #tpu.memory_space<vmem>>) semaphore(%arg13 : memref<!tpu.dma_semaphore, #tpu.memory_space<semaphore_mem>>)
    %dma_wait3A_1415 = arith.constant 0 : i32
    "tpu.trace_stop"() : () -> ()
    "tpu.trace_start"() <{level = 10 : i32, message = "ph_drain"}> : () -> ()
    %dma_wait3A_1416 = arith.constant 0 : i32
    %dma_wait3A_1417 = tpu.memref_slice %arg11[%dma_wait3A_1416] : memref<512xf32, #tpu.memory_space<vmem>> -> memref<128xf32, #tpu.memory_space<vmem>>
    %dma_wait3A_1418 = arith.constant 0 : i32
    %dma_wait3A_1419 = tpu.memref_slice %arg10[%dma_wait3A_1415, %dma_wait3A_1418] : memref<4x128xi32, #tpu.memory_space<vmem>> -> memref<1x128xi32, #tpu.memory_space<vmem>>
    %dma_wait3A_1420 = tpu.memref_squeeze %dma_wait3A_1419 : memref<1x128xi32, #tpu.memory_space<vmem>> -> memref<128xi32, #tpu.memory_space<vmem>>
    %dma_wait3A_1421 = arith.constant 0 : i32
    %dma_wait3A_1422 = tpu.memref_slice %arg2[%dma_wait3A_1421] : memref<67108864xf32, #tpu.memory_space<hbm>> -> memref<67108864xf32, #tpu.memory_space<hbm>>
    tpu.wait_indirect_dma semaphore(%arg13 : memref<!tpu.dma_semaphore, #tpu.memory_space<semaphore_mem>>) src(%dma_wait3A_1422 : memref<67108864xf32, #tpu.memory_space<hbm>>) dst(%dma_wait3A_1417 : memref<128xf32, #tpu.memory_space<vmem>>)
    %add3A_1423 = arith.constant 0 : i32
    %add3A_1424 = arith.addi %mul3A_2, %add3A_1423 : i32
    %dma_start3A_1425 = arith.constant 0 : i32
    %dma_start3A_1426 = tpu.memref_slice %arg11[%dma_start3A_1425] : memref<512xf32, #tpu.memory_space<vmem>> -> memref<128xf32, #tpu.memory_space<vmem>>
    %dma_start3A_1427 = tpu.memref_slice %arg6[%add3A_1424] : memref<16384xf32, #tpu.memory_space<hbm>> -> memref<128xf32, #tpu.memory_space<hbm>>
    %dma_start3A_1428 = tpu.memref_slice %arg6[%add3A_1424] : memref<16384xf32, #tpu.memory_space<hbm>> -> memref<128xf32, #tpu.memory_space<hbm>>
    %dma_start3A_1429 = arith.constant 0 : i32
    %dma_start3A_1430 = tpu.memref_slice %arg11[%dma_start3A_1429] : memref<512xf32, #tpu.memory_space<vmem>> -> memref<128xf32, #tpu.memory_space<vmem>>
    tpu.enqueue_dma source(%dma_start3A_1430 : memref<128xf32, #tpu.memory_space<vmem>>) target(%dma_start3A_1428 : memref<128xf32, #tpu.memory_space<hbm>>) target_semaphore(%arg12 : memref<!tpu.dma_semaphore, #tpu.memory_space<semaphore_mem>>)
    %dma_wait3A_1431 = arith.constant 1 : i32
    %dma_wait3A_1432 = arith.constant 128 : i32
    %dma_wait3A_1433 = tpu.memref_slice %arg11[%dma_wait3A_1432] : memref<512xf32, #tpu.memory_space<vmem>> -> memref<128xf32, #tpu.memory_space<vmem>>
    %dma_wait3A_1434 = arith.constant 0 : i32
    %dma_wait3A_1435 = tpu.memref_slice %arg10[%dma_wait3A_1431, %dma_wait3A_1434] : memref<4x128xi32, #tpu.memory_space<vmem>> -> memref<1x128xi32, #tpu.memory_space<vmem>>
    %dma_wait3A_1436 = tpu.memref_squeeze %dma_wait3A_1435 : memref<1x128xi32, #tpu.memory_space<vmem>> -> memref<128xi32, #tpu.memory_space<vmem>>
    %dma_wait3A_1437 = arith.constant 0 : i32
    %dma_wait3A_1438 = tpu.memref_slice %arg2[%dma_wait3A_1437] : memref<67108864xf32, #tpu.memory_space<hbm>> -> memref<67108864xf32, #tpu.memory_space<hbm>>
    tpu.wait_indirect_dma semaphore(%arg13 : memref<!tpu.dma_semaphore, #tpu.memory_space<semaphore_mem>>) src(%dma_wait3A_1438 : memref<67108864xf32, #tpu.memory_space<hbm>>) dst(%dma_wait3A_1433 : memref<128xf32, #tpu.memory_space<vmem>>)
    %add3A_1439 = arith.constant 128 : i32
    %add3A_1440 = arith.addi %mul3A_2, %add3A_1439 : i32
    %dma_start3A_1441 = arith.constant 128 : i32
    %dma_start3A_1442 = tpu.memref_slice %arg11[%dma_start3A_1441] : memref<512xf32, #tpu.memory_space<vmem>> -> memref<128xf32, #tpu.memory_space<vmem>>
    %dma_start3A_1443 = tpu.memref_slice %arg6[%add3A_1440] : memref<16384xf32, #tpu.memory_space<hbm>> -> memref<128xf32, #tpu.memory_space<hbm>>
    %dma_start3A_1444 = tpu.memref_slice %arg6[%add3A_1440] : memref<16384xf32, #tpu.memory_space<hbm>> -> memref<128xf32, #tpu.memory_space<hbm>>
    %dma_start3A_1445 = arith.constant 128 : i32
    %dma_start3A_1446 = tpu.memref_slice %arg11[%dma_start3A_1445] : memref<512xf32, #tpu.memory_space<vmem>> -> memref<128xf32, #tpu.memory_space<vmem>>
    tpu.enqueue_dma source(%dma_start3A_1446 : memref<128xf32, #tpu.memory_space<vmem>>) target(%dma_start3A_1444 : memref<128xf32, #tpu.memory_space<hbm>>) target_semaphore(%arg12 : memref<!tpu.dma_semaphore, #tpu.memory_space<semaphore_mem>>)
    %dma_wait3A_1447 = arith.constant 2 : i32
    %dma_wait3A_1448 = arith.constant 256 : i32
    %dma_wait3A_1449 = tpu.memref_slice %arg11[%dma_wait3A_1448] : memref<512xf32, #tpu.memory_space<vmem>> -> memref<128xf32, #tpu.memory_space<vmem>>
    %dma_wait3A_1450 = arith.constant 0 : i32
    %dma_wait3A_1451 = tpu.memref_slice %arg10[%dma_wait3A_1447, %dma_wait3A_1450] : memref<4x128xi32, #tpu.memory_space<vmem>> -> memref<1x128xi32, #tpu.memory_space<vmem>>
    %dma_wait3A_1452 = tpu.memref_squeeze %dma_wait3A_1451 : memref<1x128xi32, #tpu.memory_space<vmem>> -> memref<128xi32, #tpu.memory_space<vmem>>
    %dma_wait3A_1453 = arith.constant 0 : i32
    %dma_wait3A_1454 = tpu.memref_slice %arg2[%dma_wait3A_1453] : memref<67108864xf32, #tpu.memory_space<hbm>> -> memref<67108864xf32, #tpu.memory_space<hbm>>
    tpu.wait_indirect_dma semaphore(%arg13 : memref<!tpu.dma_semaphore, #tpu.memory_space<semaphore_mem>>) src(%dma_wait3A_1454 : memref<67108864xf32, #tpu.memory_space<hbm>>) dst(%dma_wait3A_1449 : memref<128xf32, #tpu.memory_space<vmem>>)
    %add3A_1455 = arith.constant 256 : i32
    %add3A_1456 = arith.addi %mul3A_2, %add3A_1455 : i32
    %dma_start3A_1457 = arith.constant 256 : i32
    %dma_start3A_1458 = tpu.memref_slice %arg11[%dma_start3A_1457] : memref<512xf32, #tpu.memory_space<vmem>> -> memref<128xf32, #tpu.memory_space<vmem>>
    %dma_start3A_1459 = tpu.memref_slice %arg6[%add3A_1456] : memref<16384xf32, #tpu.memory_space<hbm>> -> memref<128xf32, #tpu.memory_space<hbm>>
    %dma_start3A_1460 = tpu.memref_slice %arg6[%add3A_1456] : memref<16384xf32, #tpu.memory_space<hbm>> -> memref<128xf32, #tpu.memory_space<hbm>>
    %dma_start3A_1461 = arith.constant 256 : i32
    %dma_start3A_1462 = tpu.memref_slice %arg11[%dma_start3A_1461] : memref<512xf32, #tpu.memory_space<vmem>> -> memref<128xf32, #tpu.memory_space<vmem>>
    tpu.enqueue_dma source(%dma_start3A_1462 : memref<128xf32, #tpu.memory_space<vmem>>) target(%dma_start3A_1460 : memref<128xf32, #tpu.memory_space<hbm>>) target_semaphore(%arg12 : memref<!tpu.dma_semaphore, #tpu.memory_space<semaphore_mem>>)
    %dma_wait3A_1463 = arith.constant 3 : i32
    %dma_wait3A_1464 = arith.constant 384 : i32
    %dma_wait3A_1465 = tpu.memref_slice %arg11[%dma_wait3A_1464] : memref<512xf32, #tpu.memory_space<vmem>> -> memref<128xf32, #tpu.memory_space<vmem>>
    %dma_wait3A_1466 = arith.constant 0 : i32
    %dma_wait3A_1467 = tpu.memref_slice %arg10[%dma_wait3A_1463, %dma_wait3A_1466] : memref<4x128xi32, #tpu.memory_space<vmem>> -> memref<1x128xi32, #tpu.memory_space<vmem>>
    %dma_wait3A_1468 = tpu.memref_squeeze %dma_wait3A_1467 : memref<1x128xi32, #tpu.memory_space<vmem>> -> memref<128xi32, #tpu.memory_space<vmem>>
    %dma_wait3A_1469 = arith.constant 0 : i32
    %dma_wait3A_1470 = tpu.memref_slice %arg2[%dma_wait3A_1469] : memref<67108864xf32, #tpu.memory_space<hbm>> -> memref<67108864xf32, #tpu.memory_space<hbm>>
    tpu.wait_indirect_dma semaphore(%arg13 : memref<!tpu.dma_semaphore, #tpu.memory_space<semaphore_mem>>) src(%dma_wait3A_1470 : memref<67108864xf32, #tpu.memory_space<hbm>>) dst(%dma_wait3A_1465 : memref<128xf32, #tpu.memory_space<vmem>>)
    %add3A_1471 = arith.constant 384 : i32
    %add3A_1472 = arith.addi %mul3A_2, %add3A_1471 : i32
    %dma_start3A_1473 = arith.constant 384 : i32
    %dma_start3A_1474 = tpu.memref_slice %arg11[%dma_start3A_1473] : memref<512xf32, #tpu.memory_space<vmem>> -> memref<128xf32, #tpu.memory_space<vmem>>
    %dma_start3A_1475 = tpu.memref_slice %arg6[%add3A_1472] : memref<16384xf32, #tpu.memory_space<hbm>> -> memref<128xf32, #tpu.memory_space<hbm>>
    %dma_start3A_1476 = tpu.memref_slice %arg6[%add3A_1472] : memref<16384xf32, #tpu.memory_space<hbm>> -> memref<128xf32, #tpu.memory_space<hbm>>
    %dma_start3A_1477 = arith.constant 384 : i32
    %dma_start3A_1478 = tpu.memref_slice %arg11[%dma_start3A_1477] : memref<512xf32, #tpu.memory_space<vmem>> -> memref<128xf32, #tpu.memory_space<vmem>>
    tpu.enqueue_dma source(%dma_start3A_1478 : memref<128xf32, #tpu.memory_space<vmem>>) target(%dma_start3A_1476 : memref<128xf32, #tpu.memory_space<hbm>>) target_semaphore(%arg12 : memref<!tpu.dma_semaphore, #tpu.memory_space<semaphore_mem>>)
    %dma_wait3A_1479 = arith.constant 0 : i32
    %dma_wait3A_1480 = tpu.memref_slice %arg11[%dma_wait3A_1479] : memref<512xf32, #tpu.memory_space<vmem>> -> memref<128xf32, #tpu.memory_space<vmem>>
    %dma_wait3A_1481 = tpu.memref_slice %arg6[%add3A_1424] : memref<16384xf32, #tpu.memory_space<hbm>> -> memref<128xf32, #tpu.memory_space<hbm>>
    %dma_wait3A_1482 = tpu.memref_slice %arg6[%add3A_1424] : memref<16384xf32, #tpu.memory_space<hbm>> -> memref<128xf32, #tpu.memory_space<hbm>>
    %dma_wait3A_1483 = arith.constant 0 : i32
    %dma_wait3A_1484 = tpu.memref_slice %arg11[%dma_wait3A_1483] : memref<512xf32, #tpu.memory_space<vmem>> -> memref<128xf32, #tpu.memory_space<vmem>>
    tpu.wait_dma2 semaphore(%arg12 : memref<!tpu.dma_semaphore, #tpu.memory_space<semaphore_mem>>) src(%dma_wait3A_1484 : memref<128xf32, #tpu.memory_space<vmem>>) dst(%dma_wait3A_1482 : memref<128xf32, #tpu.memory_space<hbm>>)
    %dma_wait3A_1485 = arith.constant 128 : i32
    %dma_wait3A_1486 = tpu.memref_slice %arg11[%dma_wait3A_1485] : memref<512xf32, #tpu.memory_space<vmem>> -> memref<128xf32, #tpu.memory_space<vmem>>
    %dma_wait3A_1487 = tpu.memref_slice %arg6[%add3A_1440] : memref<16384xf32, #tpu.memory_space<hbm>> -> memref<128xf32, #tpu.memory_space<hbm>>
    %dma_wait3A_1488 = tpu.memref_slice %arg6[%add3A_1440] : memref<16384xf32, #tpu.memory_space<hbm>> -> memref<128xf32, #tpu.memory_space<hbm>>
    %dma_wait3A_1489 = arith.constant 128 : i32
    %dma_wait3A_1490 = tpu.memref_slice %arg11[%dma_wait3A_1489] : memref<512xf32, #tpu.memory_space<vmem>> -> memref<128xf32, #tpu.memory_space<vmem>>
    tpu.wait_dma2 semaphore(%arg12 : memref<!tpu.dma_semaphore, #tpu.memory_space<semaphore_mem>>) src(%dma_wait3A_1490 : memref<128xf32, #tpu.memory_space<vmem>>) dst(%dma_wait3A_1488 : memref<128xf32, #tpu.memory_space<hbm>>)
    %dma_wait3A_1491 = arith.constant 256 : i32
    %dma_wait3A_1492 = tpu.memref_slice %arg11[%dma_wait3A_1491] : memref<512xf32, #tpu.memory_space<vmem>> -> memref<128xf32, #tpu.memory_space<vmem>>
    %dma_wait3A_1493 = tpu.memref_slice %arg6[%add3A_1456] : memref<16384xf32, #tpu.memory_space<hbm>> -> memref<128xf32, #tpu.memory_space<hbm>>
    %dma_wait3A_1494 = tpu.memref_slice %arg6[%add3A_1456] : memref<16384xf32, #tpu.memory_space<hbm>> -> memref<128xf32, #tpu.memory_space<hbm>>
    %dma_wait3A_1495 = arith.constant 256 : i32
    %dma_wait3A_1496 = tpu.memref_slice %arg11[%dma_wait3A_1495] : memref<512xf32, #tpu.memory_space<vmem>> -> memref<128xf32, #tpu.memory_space<vmem>>
    tpu.wait_dma2 semaphore(%arg12 : memref<!tpu.dma_semaphore, #tpu.memory_space<semaphore_mem>>) src(%dma_wait3A_1496 : memref<128xf32, #tpu.memory_space<vmem>>) dst(%dma_wait3A_1494 : memref<128xf32, #tpu.memory_space<hbm>>)
    %dma_wait3A_1497 = arith.constant 384 : i32
    %dma_wait3A_1498 = tpu.memref_slice %arg11[%dma_wait3A_1497] : memref<512xf32, #tpu.memory_space<vmem>> -> memref<128xf32, #tpu.memory_space<vmem>>
    %dma_wait3A_1499 = tpu.memref_slice %arg6[%add3A_1472] : memref<16384xf32, #tpu.memory_space<hbm>> -> memref<128xf32, #tpu.memory_space<hbm>>
    %dma_wait3A_1500 = tpu.memref_slice %arg6[%add3A_1472] : memref<16384xf32, #tpu.memory_space<hbm>> -> memref<128xf32, #tpu.memory_space<hbm>>
    %dma_wait3A_1501 = arith.constant 384 : i32
    %dma_wait3A_1502 = tpu.memref_slice %arg11[%dma_wait3A_1501] : memref<512xf32, #tpu.memory_space<vmem>> -> memref<128xf32, #tpu.memory_space<vmem>>
    tpu.wait_dma2 semaphore(%arg12 : memref<!tpu.dma_semaphore, #tpu.memory_space<semaphore_mem>>) src(%dma_wait3A_1502 : memref<128xf32, #tpu.memory_space<vmem>>) dst(%dma_wait3A_1500 : memref<128xf32, #tpu.memory_space<hbm>>)
    "tpu.trace_stop"() : () -> ()
    return
  }
}

</mosaic_0001>

<sc_bundles>
// kernel: kernel.3.cloned.1.call-start
scs
__scs_entry_jumppad:
0x0: {  	(pc) =	sbr.rel $0x88, $3  }
0x1: {  	(tag) =	ssettag $0x0;
	lr =	simm.s32 $0x1  }
0x2: {  	[smem:$0x3F9D] =	sst lr;
	_ =	strace $0xD0000000  }
0x3: {  	_ = 	snop  }
0x4: {  	_ = 	snop  }
0x5: {  	_ = 	snop  }
0x6: {  	_ = 	snop  }
0x7: {  	_ = 	snop  }
__scs_overlays_trampoline_lowered:
0x8: {  	[smem:$0x3FAC] =	sst s0  }
0x9: {  	[smem:$0x3FAD] =	sst s1  }
0xa: {  	[smem:$0x3FAE] =	sst s2  }
0xb: {  	[smem:$0x3FAF] =	sst s3  }
0xc: {  	[smem:$0x3FB0] =	sst s4  }
0xd: {  	[smem:$0x3FB1] =	sst s5  }
0xe: {  	[smem:$0x3FB2] =	sst s6  }
0xf: {  	[smem:$0x3FB3] =	sst s7  }
0x10: {  	[smem:$0x3FB4] =	sst s8  }
0x11: {  	[smem:$0x3FB5] =	sst s9;
	s0 =	simm.s32 @!p0 $0x0  }
0x12: {  	s1 =	sld [smem:$0x3F9B];
	s0 =	simm.s32 @p0 $0x1  }
0x13: {  	[smem:$0x3FB6] =	sst s0;
	s0 =	simm.s32 @!p1 $0x0  }
0x14: {  	s2 =	sld [smem:$0x3F9A];
	s0 =	simm.s32 @p1 $0x1  }
0x15: {  	[smem:$0x3FB7] =	sst s0;
	s0 =	simm.s32 @!p2 $0x0  }
0x16: {  	s3 =	sld [smem:$0x3FDB];
	s0 =	simm.s32 @p2 $0x1  }
0x17: {  	s4 =	simm.s32 $0x1BF5;
	[smem:$0x3FB9] =	sst s0  }
0x18: {  	s0 =	sld [smem:$0x3F9C];
	_ =	swait.ge [sflag:s4], $0x0  }
0x19: {  	s7 =	sld [smem:$0x3F9D]  }
0x1a: {  	s8 =	sadd.s32 $0xFFFFE003, lr  }
0x1b: {  	s9 =	sadd.s32 $0xFFFFFEF7, lr;
	s5 =	simm.s32 $0xFFFFFFFF;
	p2 =	slt.u32 s8, $0xFFFFF086  }
0x1c: {  	p1 =	slt.u32 s9, $0xF7A;
	s5 =	simm.s32 @!p2 $0x0  }
0x1d: {  	s5 =	simm.s32 @p1 $0x1;
	p0 =	seq.s32 s7, s2  }
0x1e: {  	s7 =	smul.u32 @!p0 $0xF7A, s2;
	p2 =	seq.s32 @!p0 s5, $0x0  }
0x1f: {  	s9 =	smul.u32 $0xF7A, s1;
	s8 =	simm.s32 @!p0 $0x1BF5;
	p2 =	por !p2, p0  }
0x20: {  	[sflag:s8] =	ssyncset.s32 @!p0 $0xFFFFF086;
	s6 =	sadd.s32 @!p0 s3, s7;
	s7 =	simm.s32 @!p0 $0x108  }
0x21: {  	s3 =	sadd.s32 s3, s9;
	s6 =	sadd.s32 @!p0 $0x88, s6;
	s7 =	simm.s32 @p2 $0x1082  }
0x22: {  	[simem:s7], [sflag:s8] =	dma.local @!p0 [hbm:s6], $0xF7A  }
0x23: {  	s9 =	sor.u32 $0xD0000000, s2;
	s6 =	simm.s32 $0x108;
	_ =	swait.ge @!p0 [sflag:s8], $0x0  }
0x24: {  	s3 =	sadd.s32 $0x88, s3;
	s6 =	simm.s32 @!p1 $0x1082;
	[sflag:s4] =	ssyncset.s32 $0xFFFFF086  }
0x25: {  	[simem:s6], [sflag:s4] =	dma.local [hbm:s3], $0xF7A  }
0x26: {  	[smem:$0x3F9D] =	sst s1;
	(tag) =	ssettag s2;
	_ =	strace s9  }
0x27: {  	s1 =	sld [smem:$0x3FAD]  }
0x28: {  	s2 =	sld [smem:$0x3FAE]  }
0x29: {  	s4 =	sld [smem:$0x3FB0]  }
0x2a: {  	p0 =	seq.s32 s5, $0x0;
	s5 =	sld [smem:$0x3FB1]  }
0x2b: {  	s6 =	sld [smem:$0x3FB2]  }
0x2c: {  	s7 =	sld [smem:$0x3FB3]  }
0x2d: {  	s3 =	simm.s32 $0x108;
	s8 =	sld [smem:$0x3FB4]  }
0x2e: {  	s3 =	simm.s32 @!p0 $0x1082;
	s9 =	sld [smem:$0x3FB5]  }
0x2f: {  	lr =	sadd.s32 s0, s3;
	s0 =	sld [smem:$0x3FAC]  }
0x30: {  	s3 =	sld [smem:$0x3FAF]  }
0x31: {  	[smem:$0x3FB8] =	sst s10  }
0x32: {  	s10 =	sld [smem:$0x3FB6];
	_ =	sdelay $0x3  }
0x33: {  	p0 =	seq.s32 s10, $0x1;
	s10 =	sld [smem:$0x3FB8];
	_ =	sdelay $0x3  }
0x34: {  	[smem:$0x3FB8] =	sst s10  }
0x35: {  	s10 =	sld [smem:$0x3FB7];
	_ =	sdelay $0x3  }
0x36: {  	p1 =	seq.s32 s10, $0x1;
	s10 =	sld [smem:$0x3FB8];
	_ =	sdelay $0x3  }
0x37: {  	[smem:$0x3FB8] =	sst s10  }
0x38: {  	s10 =	sld [smem:$0x3FB9]  }
0x39: {  	_ = 	snop;
	(pc) =	sbr.ind lr, $3  }
0x3a: {  	_ = 	snop  }
0x3b: {  	_ = 	snop  }
0x3c: {  	p2 =	seq.s32 s10, $0x1;
	s10 =	sld [smem:$0x3FB8]  }
0x3d: {  	_ =	shalt  }
0x3e: {  	_ =	shalt  }
0x3f: {  	_ =	shalt  }
0x40: {  	_ =	shalt  }
0x41: {  	_ =	shalt  }
0x42: {  	_ =	shalt  }
0x43: {  	_ =	shalt  }
0x44: {  	_ =	shalt  }
0x45: {  	_ =	shalt  }
0x46: {  	_ =	shalt  }
0x47: {  	_ =	shalt  }
0x48: {  	_ =	shalt  }
0x49: {  	_ =	shalt  }
0x4a: {  	_ =	shalt  }
0x4b: {  	_ =	shalt  }
0x4c: {  	_ =	shalt  }
0x4d: {  	_ =	shalt  }
0x4e: {  	_ =	shalt  }
0x4f: {  	_ =	shalt  }
0x50: {  	_ =	shalt  }
0x51: {  	_ =	shalt  }
0x52: {  	_ =	shalt  }
0x53: {  	_ =	shalt  }
0x54: {  	_ =	shalt  }
0x55: {  	_ =	shalt  }
0x56: {  	_ =	shalt  }
0x57: {  	_ =	shalt  }
0x58: {  	_ =	shalt  }
0x59: {  	_ =	shalt  }
0x5a: {  	_ =	shalt  }
0x5b: {  	_ =	shalt  }
0x5c: {  	_ =	shalt  }
0x5d: {  	_ =	shalt  }
0x5e: {  	_ =	shalt  }
0x5f: {  	_ =	shalt  }
0x60: {  	_ =	shalt  }
0x61: {  	_ =	shalt  }
0x62: {  	_ =	shalt  }
0x63: {  	_ =	shalt  }
0x64: {  	_ =	shalt  }
0x65: {  	_ =	shalt  }
0x66: {  	_ =	shalt  }
0x67: {  	_ =	shalt  }
0x68: {  	_ =	shalt  }
0x69: {  	_ =	shalt  }
0x6a: {  	_ =	shalt  }
0x6b: {  	_ =	shalt  }
0x6c: {  	_ =	shalt  }
0x6d: {  	_ =	shalt  }
0x6e: {  	_ =	shalt  }
0x6f: {  	_ =	shalt  }
0x70: {  	_ =	shalt  }
0x71: {  	_ =	shalt  }
0x72: {  	_ =	shalt  }
0x73: {  	_ =	shalt  }
0x74: {  	_ =	shalt  }
0x75: {  	_ =	shalt  }
0x76: {  	_ =	shalt  }
0x77: {  	_ =	shalt  }
0x78: {  	_ =	shalt  }
0x79: {  	_ =	shalt  }
0x7a: {  	_ =	shalt  }
0x7b: {  	_ =	shalt  }
0x7c: {  	_ =	shalt  }
0x7d: {  	_ =	shalt  }
0x7e: {  	_ =	shalt  }
0x7f: {  	_ =	shalt  }
0x80: {  	_ =	shalt  }
0x81: {  	_ =	shalt  }
0x82: {  	_ =	shalt  }
0x83: {  	_ =	shalt  }
0x84: {  	_ =	shalt  }
0x85: {  	_ =	shalt  }
0x86: {  	_ =	shalt  }
0x87: {  	_ =	shalt  }
.Lfunc_end0:
.L_simem_size_0:
called_computation_lowered:
.L_overlay_start_0:
0x88: {  	s2 =	sld [smem:$0x3FD9]  }
0x89: {  	s3 =	sld [smem:$0x3FFE];
	_ =	sdelay $0x1  }
0x8a: {  	s1 =	srdreg.scid  }
0x8b: {  	s0 =	sand.u32 $0x1, s1  }
0x8c: {  	s18 =	sshll.u32 s0, $0xA;
	s2 =	sadd.s32 s3, s2  }
0x8d: {  	s2 =	sadd.s32 s2, s18  }
0x8e: {  	[smem:$0x3FC4] =	sst s2  }
0x8f: {  	_ = 	snop  }
0x90: {  	s2 =	sld [smem:$0x3FC9]  }
0x91: {  	s19 =	sld [smem:$0x3FC8]  }
0x92: {  	s4 =	sld [smem:$0x3FC7]  }
0x93: {  	s5 =	sld [smem:$0x3FC6]  }
0x94: {  	s6 =	sld [smem:$0x3FD0];
	(tm) =	ssettm $0x1  }
0x95: {  	s7 =	sld [smem:$0x3FFB];
	_ =	sdelay $0x3  }
0x96: {  	_ =	strace s7  }
0x97: {  	s7 =	sld [smem:$0x3FFC];
	_ =	sdelay $0x3  }
0x98: {  	_ =	strace s7  }
0x99: {  	s7 =	sld [smem:$0x3FFD];
	_ =	sdelay $0x3  }
0x9a: {  	_ =	strace s7  }
0x9b: {  	_ =	strace $0x8FFFFFFF  }
0x9c: {  	s20 =	sld [smem:$0x3FDB];
	_ =	sdelay $0x1  }
0x9d: {  	s8 =	simm.s32 $_scs_section_size  }
0x9e: {  	s9 =	simm.s32 $_size__tile_overlayer_lowered;
	s10 =	simm.s32 $_tile_overlayer_lowered  }
0x9f: {  	s23 =	simm.s32 $0x1BFF;
	s22 =	sshll.u32 s10, $0x1;
	s7 =	sadd.s32 s8, s20  }
0xa0: {  	s11 =	simm.s32 $0x0;
	s21 =	sshll.u32 s9, $0x1;
	s9 =	sadd.s32 s22, s7  }
0xa1: {  	[timem:s11], [sflag:s23] =	dma.local [hbm:s9], s21  }
0xa2: {  	_ =	swait.ge [sflag:s23], s21  }
0xa3: {  	s8 =	ssub.s32 $0x0, s21;
	[sflag:s23] =	ssyncset.done $0x0  }
0xa4: {  	[sflag:s23] =	ssyncadd.s32 s8;
	_ =	sdelay $0x1  }
0xa5: {  	s24 =	simm.s32 $0x1B8B  }
0xa6: {  	_ =	swait.ge [sflag:s24], $0x1  }
0xa7: {  	[sflag:s24] =	ssyncset.done $0x0  }
0xa8: {  	s25 =	simm.s32 $0x1B8E;
	[sflag:s24] =	ssyncadd.s32 $0xFFFFFFFF  }
0xa9: {  	s26 =	simm.s32 $execute0_lowered;
	[smem:$0x3FD2] =	sst s25  }
0xaa: {  	s8 =	sshll.u32 s26, $0x1;
	_ =	strace $0x80000046;
	[dreg:$0x1] =	wrdreg $0xFFFFFFFF  }
0xab: {  	s28 =	simm.s32 $_size_execute0_lowered;
	s7 =	sadd.s32 s7, s8;
	[dreg:$0x0] =	wrdreg $0x0  }
0xac: {  	s8 =	sshll.u32 s28, $0x1;
	[dreg:$0x2] =	wrdreg s7  }
0xad: {  	[dreg:$0x3] =	wrdreg s8  }
0xae: {  	[dreg:$0x4] =	wrdreg $0xC0  }
0xaf: {  	_ =	task [dreg:s11], $0x5FFFF  }
0xb0: {  	[dreg:$0x1] =	wrdreg $0xFFFFFFFF  }
0xb1: {  	[dreg:$0x0] =	wrdreg $0x60  }
0xb2: {  	[dreg:$0x2] =	wrdreg s5  }
0xb3: {  	[dreg:$0x3] =	wrdreg s2  }
0xb4: {  	[dreg:$0x4] =	wrdreg s19  }
0xb5: {  	[dreg:$0x5] =	wrdreg s4  }
0xb6: {  	[dreg:$0x6] =	wrdreg s6  }
0xb7: {  	[dreg:$0x7] =	wrdreg $0x9  }
0xb8: {  	_ =	task.clear_ibuf [dreg:s11], $0x8FFFF;
	_ =	strace $0x90000046  }
0xb9: {  	s29 =	simm.s32 $0x9;
	_ =	strace $0x8000004B  }
0xba: {  	_ =	swait.ge [sflag:s29], $0x1  }
0xbb: {  	[sflag:s29] =	ssyncadd.s32 $0xFFFFFFFF  }
0xbc: {  	_ =	strace $0x9000004B  }
0xbd: {  	_ =	sfence  }
0xbe: {  	s30 =	sld [smem:$0x0];
	_ =	sdelay $0x2  }
0xbf: {  	s31 =	sshll.u32 s1, $0xD;
	s1 =	sshrl.u32 s1, $0x2  }
0xc0: {  	s3 =	sand.u32 $0x4000, s31;
	s1 =	sadd.s32 s1, s30  }
0xc1: {  	s0 =	sor.u32 s3, s0;
	s1 =	sshll.u32 s1, $0x11  }
0xc2: {  	s0 =	sor.u32 s1, s0  }
0xc3: {  	s0 =	sadd.s32 $0x8F2B, s0  }
0xc4: {  	[sflag:s0] =	ssyncadd.remote.s32 $0x1  }
0xc5: {  	_ =	sfence.sel $0xFFFF  }
0xc6: {  	[dreg:$0x0] =	wrdreg $0xFFFFFFFF;
	(pc) =	sbr.abs _section_cstart, $3  }
0xc7: {  	[dreg:$0x1] =	wrdreg $0xFFFFFFFF  }
0xc8: {  	_ =	task.clear_ibuf [dreg:s11], $0x2FFFF;
	_ =	strace $0x9FFFFFFF  }
0xc9: {  	(tm) =	ssettm $0x7FFFFFFF  }
tec
execute0_lowered:
.L_overlay_start_1:
0x0: {  	(tag) =	ssettag $0x1  }
0x1: {  	s1 =	rddreg [dreg:$0x0]  }
0x2: {  	s4 =	rddreg [dreg:$0x1]  }
0x3: {  	s5 =	rddreg [dreg:$0x2]  }
0x4: {  	s7 =	rddreg [dreg:$0x3]  }
0x5: {  	s6 =	rddreg [dreg:$0x4];
	s2 =	srdreg.scid  }
0x6: {  	s0 =	rddreg [dreg:$0x5];
	s3 =	simm.s32 $0x0;
	s13 =	simm.s32 $0x400  }
0x7: {  	s14 =	simm.s32 $0x1;
	s15 =	simm.s32 $0x80;
	s16 =	simm.s32 $0x600  }
0x8: {  	s17 =	simm.s32 $0x800;
	s18 =	simm.s32 $0x680;
	s19 =	simm.s32 $0x880  }
0x9: {  	s20 =	simm.s32 $0x700;
	s21 =	simm.s32 $0x900;
	s22 =	simm.s32 $0x780  }
0xa: {  	s23 =	simm.s32 $0x980;
	s24 =	simm.s32 $0x2;
	s8 =	sand.u32 $0x1, s2  }
0xb: {  	[smem:$0x7FF] =	sst s3;
	s2 =	stileid.u32;
	s9 =	ssub.s32 $0x2, s8  }
0xc: {  	s11 =	sshll.u32 s2, $0x7;
	s8 =	sshll.u32 s8, $0x6;
	s10 =	sshrl.u32 s9, $0x1  }
0xd: {  	_ =	strace $0x80000047;
	s8 =	sor.u32 s8, s11;
	s12 =	ssub.s32 s9, s10  }
0xe: {  	s4 =	sadd.s32 s4, s8;
	s5 =	sadd.s32 s5, s8;
	s6 =	sadd.s32 s6, s8  }
0xf: {  	s7 =	sadd.s32 s7, s8;
	s8 =	sadd.s32 $0x10, s6;
	s9 =	sadd.s32 $0x20, s6  }
0x10: {  	s10 =	sadd.s32 $0x30, s6;
	s11 =	smax.u32 s12, $0x1;
	s12 =	simm.s32 $0x200  }
.LBB2_1:
0x11: {  	_ =	strace $0x80000048  }
0x12: {  	[tilespmem:s3], [sflag:$0x1] =	stream.linear.gather [hbm4b:s4+s3], $0x200, $0x200038;
	[tilespmem:$0xA00] =	vst v63  }
0x13: {  	_ = 	snop  }
0x14: {  	[tilespmem:s12], [sflag:$0x1] =	stream.linear.gather [hbm4b:s5+s3], $0x200, $0x200038;
	[tilespmem:$0xA00] =	vst v63  }
0x15: {  	_ = 	snop  }
0x16: {  	[tilespmem:s13], [sflag:$0x1] =	stream.linear.gather [hbm4b:s7+s3], $0x200, $0x200038;
	[tilespmem:$0xA00] =	vst v63  }
0x17: {  	_ =	swait.ge [sflag:s14], $0x200  }
0x18: {  	[sflag:s14] =	ssyncset.done $0x0  }
0x19: {  	[sflag:s14] =	ssyncadd.s32 $0xFFFFFE00  }
0x1a: {  	_ =	swait.ge [sflag:s14], $0x200  }
0x1b: {  	[sflag:s14] =	ssyncset.done $0x0  }
0x1c: {  	[sflag:s14] =	ssyncadd.s32 $0xFFFFFE00  }
0x1d: {  	_ =	swait.ge [sflag:s14], $0x200  }
0x1e: {  	[sflag:s14] =	ssyncset.done $0x0  }
0x1f: {  	[sflag:s14] =	ssyncadd.s32 $0xFFFFFE00  }
0x20: {  	_ =	strace $0x90000048  }
0x21: {  	_ =	strace $0x80000049  }
0x22: {  	v0 =	vld [tilespmem:$0x0]  }
0x23: {  	v1 =	vld [tilespmem:$0x200]  }
0x24: {  	v2 =	vld [tilespmem:$0x400]  }
0x25: {  	v3 =	vld [tilespmem:$0x10]  }
0x26: {  	v4 =	vld [tilespmem:$0x210]  }
0x27: {  	v6 =	vld [tilespmem:$0x410]  }
0x28: {  	v38 =	vld [tilespmem:$0x220]  }
0x29: {  	v8 =	vld [tilespmem:$0x420]  }
0x2a: {  	v43 =	vld [tilespmem:$0x230]  }
0x2b: {  	v45 =	vld [tilespmem:$0x430]  }
0x2c: {  	v49 =	vld [tilespmem:$0x240]  }
0x2d: {  	v51 =	vld [tilespmem:$0x440]  }
0x2e: {  	v55 =	vld [tilespmem:$0x250]  }
0x2f: {  	v57 =	vld [tilespmem:$0x450]  }
0x30: {  	v61 =	vld [tilespmem:$0x260]  }
0x31: {  	v63 =	vld [tilespmem:$0x460];
	v0 =	vshll.u32 v0, $0xF;
	v5 =	vshll.u32 v1, $0x3  }
0x32: {  	v16 =	vld [tilespmem:$0x70];
	v1 =	vand.u32 $0x7F, v1;
	v7 =	vshll.u32 v2, $0xB;
	v2 =	vshll.u32 v2, $0x7  }
0x33: {  	v18 =	vld [tilespmem:$0x270];
	v3 =	vshll.u32 v3, $0xF;
	v39 =	vshll.u32 v4, $0x3;
	v4 =	vand.u32 $0x7F, v4  }
0x34: {  	v20 =	vld [tilespmem:$0x470];
	v9 =	vshll.u32 v6, $0xB;
	v6 =	vshll.u32 v6, $0x7;
	v44 =	vshll.u32 v38, $0x3  }
0x35: {  	v10 =	vshll.u32 v8, $0xB;
	v8 =	vshll.u32 v8, $0x7;
	v50 =	vshll.u32 v43, $0x3  }
0x36: {  	v11 =	vshll.u32 v45, $0xB;
	v56 =	vshll.u32 v49, $0x3;
	v12 =	vshll.u32 v51, $0xB  }
0x37: {  	v62 =	vshll.u32 v55, $0x3;
	v13 =	vshll.u32 v57, $0xB;
	v19 =	vshll.u32 v61, $0x3  }
0x38: {  	v21 =	vshll.u32 v63, $0xB;
	v23 =	vshll.u32 v63, $0x7;
	v26 =	vshll.u32 v16, $0xF  }
0x39: {  	v27 =	vshll.u32 v18, $0x3;
	v28 =	vand.u32 $0x7F, v18;
	v29 =	vshll.u32 v20, $0xB  }
0x3a: {  	v30 =	vshll.u32 v20, $0x7;
	v5 =	vand.u32 $0xFFFFFC00, v5;
	v0 =	vor.u32 v0, v1  }
0x3b: {  	v36 =	vand.u32 $0xFFFFC000, v7;
	v2 =	vand.u32 $0x380, v2;
	v7 =	vand.u32 $0xFFFFFC00, v39  }
0x3c: {  	v37 =	vld [tilespmem:$0x20];
	v3 =	vor.u32 v3, v4;
	v40 =	vand.u32 $0xFFFFC000, v9;
	v42 =	vand.u32 $0x380, v6  }
0x3d: {  	v41 =	vld [tilespmem:$0x30];
	v1 =	vand.u32 $0x7F, v38;
	v6 =	vand.u32 $0xFFFFFC00, v44;
	v46 =	vand.u32 $0xFFFFC000, v10  }
0x3e: {  	v48 =	vand.u32 $0x380, v8;
	v4 =	vand.u32 $0x7F, v43;
	v8 =	vand.u32 $0xFFFFFC00, v50  }
0x3f: {  	v52 =	vand.u32 $0xFFFFC000, v11;
	v9 =	vshll.u32 v45, $0x7;
	v58 =	vand.u32 $0xFFFFC000, v12  }
0x40: {  	v10 =	vshll.u32 v51, $0x7;
	v15 =	vand.u32 $0xFFFFC000, v13;
	v11 =	vshll.u32 v57, $0x7  }
0x41: {  	v22 =	vand.u32 $0xFFFFC000, v21;
	v25 =	vand.u32 $0x380, v23;
	v0 =	vor.u32 v5, v0  }
0x42: {  	v47 =	vld [tilespmem:$0x40];
	v3 =	vor.u32 v7, v3;
	v5 =	vshll.u32 v37, $0xF;
	v7 =	vshll.u32 v41, $0xF  }
0x43: {  	v53 =	vld [tilespmem:$0x50];
	v54 =	vand.u32 $0x380, v9;
	v9 =	vand.u32 $0xFFFFFC00, v56;
	v60 =	vand.u32 $0x380, v10  }
0x44: {  	v10 =	vand.u32 $0xFFFFFC00, v62;
	v17 =	vand.u32 $0x380, v11;
	v11 =	vand.u32 $0xFFFFFC00, v19  }
0x45: {  	v0 =	vor.u32 v36, v0;
	v3 =	vor.u32 v40, v3;
	v1 =	vor.u32 v5, v1  }
0x46: {  	v59 =	vld [tilespmem:$0x60];
	v4 =	vor.u32 v7, v4;
	v5 =	vand.u32 $0x7F, v49;
	v7 =	vand.u32 $0x7F, v55  }
0x47: {  	v0 =	vor.u32 v2, v0;
	v1 =	vor.u32 v6, v1;
	v2 =	vor.u32 v42, v3  }
0x48: {  	v4 =	vor.u32 v8, v4;
	v6 =	vshll.u32 v47, $0xF;
	v8 =	vshll.u32 v53, $0xF  }
0x49: {  	v1 =	vor.u32 v46, v1;
	v4 =	vor.u32 v52, v4;
	v5 =	vor.u32 v6, v5  }
0x4a: {  	v7 =	vor.u32 v8, v7;
	v6 =	vand.u32 $0x7F, v61;
	v1 =	vor.u32 v48, v1  }
0x4b: {  	[tilespmem:$0x600] =	vst v0;
	v5 =	vor.u32 v9, v5;
	v3 =	vor.u32 v54, v4;
	v9 =	vshll.u32 v59, $0xF  }
0x4c: {  	[tilespmem:$0x610] =	vst v2;
	v7 =	vor.u32 v10, v7;
	v5 =	vor.u32 v58, v5;
	v6 =	vor.u32 v9, v6  }
0x4d: {  	v7 =	vor.u32 v15, v7;
	[tilespmem:$0x620] =	vst v1;
	v1 =	vor.u32 v26, v28;
	v6 =	vor.u32 v11, v6  }
0x4e: {  	[tilespmem:$0x630] =	vst v3;
	v4 =	vor.u32 v60, v5;
	v0 =	vor.u32 v22, v6;
	v6 =	vand.u32 $0xFFFFFC00, v27  }
0x4f: {  	v3 =	vand.u32 $0xFFFFC000, v29;
	v24 =	vor.u32 v17, v7;
	[tilespmem:$0x640] =	vst v4;
	v1 =	vor.u32 v6, v1  }
0x50: {  	v31 =	vand.u32 $0x380, v30;
	[tilespmem:$0x650] =	vst v24;
	v0 =	vor.u32 v25, v0;
	v1 =	vor.u32 v3, v1  }
0x51: {  	[tilespmem:$0x660] =	vst v0;
	v32 =	vor.u32 v31, v1  }
0x52: {  	[tilespmem:$0x670] =	vst v32  }
0x53: {  	[tilespmem:s17], [sflag:$0x2] =	stream.indirect.gather [hbm4b:s1+s15], $0x1, s16, s15, $0x2000b8;
	[tilespmem:$0xA00] =	vst v63  }
0x54: {  	v33 =	vld [tilespmem:$0x80]  }
0x55: {  	v34 =	vld [tilespmem:$0x280]  }
0x56: {  	v35 =	vld [tilespmem:$0x480]  }
0x57: {  	v36 =	vld [tilespmem:$0x90]  }
0x58: {  	v37 =	vld [tilespmem:$0x290]  }
0x59: {  	v39 =	vld [tilespmem:$0x490]  }
0x5a: {  	v43 =	vld [tilespmem:$0x2A0]  }
0x5b: {  	v45 =	vld [tilespmem:$0x4A0]  }
0x5c: {  	v50 =	vld [tilespmem:$0x2B0]  }
0x5d: {  	v52 =	vld [tilespmem:$0x4B0]  }
0x5e: {  	v57 =	vld [tilespmem:$0x2C0]  }
0x5f: {  	v59 =	vld [tilespmem:$0x4C0]  }
0x60: {  	v16 =	vld [tilespmem:$0x2D0]  }
0x61: {  	v18 =	vld [tilespmem:$0x4D0];
	v0 =	vshll.u32 v33, $0xF;
	v38 =	vshll.u32 v34, $0x3  }
0x62: {  	v23 =	vld [tilespmem:$0x2E0];
	v1 =	vand.u32 $0x7F, v34;
	v40 =	vshll.u32 v35, $0xB;
	v2 =	vshll.u32 v35, $0x7  }
0x63: {  	v25 =	vld [tilespmem:$0x4E0];
	v3 =	vshll.u32 v36, $0xF;
	v44 =	vshll.u32 v37, $0x3;
	v4 =	vand.u32 $0x7F, v37  }
0x64: {  	v30 =	vld [tilespmem:$0x2F0];
	v46 =	vshll.u32 v39, $0xB;
	v6 =	vshll.u32 v39, $0x7;
	v51 =	vshll.u32 v43, $0x3  }
0x65: {  	v53 =	vshll.u32 v45, $0xB;
	v8 =	vshll.u32 v45, $0x7;
	v58 =	vshll.u32 v50, $0x3  }
0x66: {  	v60 =	vshll.u32 v52, $0xB;
	v9 =	vshll.u32 v52, $0x7;
	v17 =	vshll.u32 v57, $0x3  }
0x67: {  	v19 =	vshll.u32 v59, $0xB;
	v10 =	vshll.u32 v59, $0x7;
	v24 =	vshll.u32 v16, $0x3  }
0x68: {  	v26 =	vshll.u32 v18, $0xB;
	v11 =	vshll.u32 v18, $0x7;
	v31 =	vshll.u32 v23, $0x3  }
0x69: {  	v33 =	vshll.u32 v25, $0xB;
	v35 =	vshll.u32 v25, $0x7;
	v39 =	vshll.u32 v30, $0x3  }
0x6a: {  	v5 =	vand.u32 $0xFFFFFC00, v38;
	v0 =	vor.u32 v0, v1;
	v41 =	vand.u32 $0xFFFFC000, v40  }
0x6b: {  	v2 =	vand.u32 $0x380, v2;
	v7 =	vand.u32 $0xFFFFFC00, v44;
	v3 =	vor.u32 v3, v4  }
0x6c: {  	v42 =	vld [tilespmem:$0xA0];
	v47 =	vand.u32 $0xFFFFC000, v46;
	v49 =	vand.u32 $0x380, v6;
	v1 =	vand.u32 $0x7F, v43  }
0x6d: {  	v28 =	vld [tilespmem:$0xF0];
	v6 =	vand.u32 $0xFFFFFC00, v51;
	v54 =	vand.u32 $0xFFFFC000, v53;
	v56 =	vand.u32 $0x380, v8  }
0x6e: {  	v48 =	vld [tilespmem:$0xB0];
	v4 =	vand.u32 $0x7F, v50;
	v8 =	vand.u32 $0xFFFFFC00, v58;
	v61 =	vand.u32 $0xFFFFC000, v60  }
0x6f: {  	v32 =	vld [tilespmem:$0x4F0];
	v63 =	vand.u32 $0x380, v9;
	v9 =	vand.u32 $0xFFFFFC00, v17;
	v20 =	vand.u32 $0xFFFFC000, v19  }
0x70: {  	v22 =	vand.u32 $0x380, v10;
	v10 =	vand.u32 $0xFFFFFC00, v24;
	v27 =	vand.u32 $0xFFFFC000, v26  }
0x71: {  	v29 =	vand.u32 $0x380, v11;
	v11 =	vand.u32 $0xFFFFFC00, v31;
	v34 =	vand.u32 $0xFFFFC000, v33  }
0x72: {  	v55 =	vld [tilespmem:$0xC0];
	v37 =	vand.u32 $0x380, v35;
	v38 =	vshll.u32 v28, $0xF;
	v40 =	vand.u32 $0x7F, v30  }
0x73: {  	v62 =	vld [tilespmem:$0xD0];
	v0 =	vor.u32 v5, v0;
	v3 =	vor.u32 v7, v3;
	v5 =	vshll.u32 v42, $0xF  }
0x74: {  	v7 =	vshll.u32 v48, $0xF;
	v42 =	vshll.u32 v32, $0x7;
	v0 =	vor.u32 v41, v0  }
0x75: {  	v3 =	vor.u32 v47, v3;
	v1 =	vor.u32 v5, v1;
	v4 =	vor.u32 v7, v4  }
0x76: {  	v21 =	vld [tilespmem:$0xE0];
	v5 =	vand.u32 $0x7F, v57;
	v7 =	vand.u32 $0x7F, v16;
	v41 =	vshll.u32 v32, $0xB  }
0x77: {  	v0 =	vor.u32 v2, v0;
	v1 =	vor.u32 v6, v1;
	v2 =	vor.u32 v49, v3  }
0x78: {  	v4 =	vor.u32 v8, v4;
	v6 =	vshll.u32 v55, $0xF;
	v8 =	vshll.u32 v62, $0xF  }
0x79: {  	v1 =	vor.u32 v54, v1;
	v4 =	vor.u32 v61, v4;
	v5 =	vor.u32 v6, v5  }
0x7a: {  	v7 =	vor.u32 v8, v7;
	v6 =	vand.u32 $0x7F, v23;
	v1 =	vor.u32 v56, v1  }
0x7b: {  	[tilespmem:$0x680] =	vst v0;
	v5 =	vor.u32 v9, v5;
	v3 =	vor.u32 v63, v4;
	v9 =	vshll.u32 v21, $0xF  }
0x7c: {  	[tilespmem:$0x690] =	vst v2;
	v7 =	vor.u32 v10, v7;
	v5 =	vor.u32 v20, v5;
	v6 =	vor.u32 v9, v6  }
0x7d: {  	v7 =	vor.u32 v27, v7;
	[tilespmem:$0x6A0] =	vst v1;
	v1 =	vor.u32 v38, v40;
	v6 =	vor.u32 v11, v6  }
0x7e: {  	[tilespmem:$0x6B0] =	vst v3;
	v4 =	vor.u32 v22, v5;
	v0 =	vor.u32 v34, v6;
	v6 =	vand.u32 $0xFFFFFC00, v39  }
0x7f: {  	v3 =	vand.u32 $0xFFFFC000, v41;
	v36 =	vor.u32 v29, v7;
	[tilespmem:$0x6C0] =	vst v4;
	v1 =	vor.u32 v6, v1  }
0x80: {  	v43 =	vand.u32 $0x380, v42;
	[tilespmem:$0x6D0] =	vst v36;
	v0 =	vor.u32 v37, v0;
	v1 =	vor.u32 v3, v1  }
0x81: {  	[tilespmem:$0x6E0] =	vst v0;
	v44 =	vor.u32 v43, v1  }
0x82: {  	[tilespmem:$0x6F0] =	vst v44  }
0x83: {  	[tilespmem:s19], [sflag:$0x2] =	stream.indirect.gather [hbm4b:s1+s15], $0x1, s18, s15, $0x2000b8;
	[tilespmem:$0xA00] =	vst v63  }
0x84: {  	v45 =	vld [tilespmem:$0x100]  }
0x85: {  	v46 =	vld [tilespmem:$0x300]  }
0x86: {  	v47 =	vld [tilespmem:$0x500]  }
0x87: {  	v48 =	vld [tilespmem:$0x110]  }
0x88: {  	v49 =	vld [tilespmem:$0x310]  }
0x89: {  	v51 =	vld [tilespmem:$0x510]  }
0x8a: {  	v55 =	vld [tilespmem:$0x320]  }
0x8b: {  	v57 =	vld [tilespmem:$0x520]  }
0x8c: {  	v62 =	vld [tilespmem:$0x330]  }
0x8d: {  	v12 =	vld [tilespmem:$0x530]  }
0x8e: {  	v17 =	vld [tilespmem:$0x340]  }
0x8f: {  	v19 =	vld [tilespmem:$0x540]  }
0x90: {  	v24 =	vld [tilespmem:$0x350]  }
0x91: {  	v26 =	vld [tilespmem:$0x550]  }
0x92: {  	v31 =	vld [tilespmem:$0x360];
	v0 =	vshll.u32 v45, $0xF;
	v50 =	vshll.u32 v46, $0x3  }
0x93: {  	v33 =	vld [tilespmem:$0x560];
	v1 =	vand.u32 $0x7F, v46;
	v52 =	vshll.u32 v47, $0xB;
	v2 =	vshll.u32 v47, $0x7  }
0x94: {  	v36 =	vld [tilespmem:$0x170];
	v3 =	vshll.u32 v48, $0xF;
	v56 =	vshll.u32 v49, $0x3;
	v4 =	vand.u32 $0x7F, v49  }
0x95: {  	v38 =	vld [tilespmem:$0x370];
	v58 =	vshll.u32 v51, $0xB;
	v6 =	vshll.u32 v51, $0x7;
	v63 =	vshll.u32 v55, $0x3  }
0x96: {  	v40 =	vld [tilespmem:$0x570];
	v13 =	vshll.u32 v57, $0xB;
	v8 =	vshll.u32 v57, $0x7;
	v18 =	vshll.u32 v62, $0x3  }
0x97: {  	v20 =	vshll.u32 v12, $0xB;
	v9 =	vshll.u32 v12, $0x7;
	v25 =	vshll.u32 v17, $0x3  }
0x98: {  	v27 =	vshll.u32 v19, $0xB;
	v10 =	vshll.u32 v19, $0x7;
	v32 =	vshll.u32 v24, $0x3  }
0x99: {  	v34 =	vshll.u32 v26, $0xB;
	v11 =	vshll.u32 v26, $0x7;
	v39 =	vshll.u32 v31, $0x3  }
0x9a: {  	v41 =	vshll.u32 v33, $0xB;
	v43 =	vshll.u32 v33, $0x7;
	v46 =	vshll.u32 v36, $0xF  }
0x9b: {  	v47 =	vshll.u32 v38, $0x3;
	v48 =	vand.u32 $0x7F, v38;
	v49 =	vshll.u32 v40, $0xB  }
0x9c: {  	v5 =	vand.u32 $0xFFFFFC00, v50;
	v0 =	vor.u32 v0, v1;
	v53 =	vand.u32 $0xFFFFC000, v52  }
0x9d: {  	v2 =	vand.u32 $0x380, v2;
	v7 =	vand.u32 $0xFFFFFC00, v56;
	v3 =	vor.u32 v3, v4  }
0x9e: {  	v59 =	vand.u32 $0xFFFFC000, v58;
	v61 =	vand.u32 $0x380, v6;
	v1 =	vand.u32 $0x7F, v55  }
0x9f: {  	v54 =	vld [tilespmem:$0x120];
	v6 =	vand.u32 $0xFFFFFC00, v63;
	v14 =	vand.u32 $0xFFFFC000, v13;
	v16 =	vand.u32 $0x380, v8  }
0xa0: {  	v60 =	vld [tilespmem:$0x130];
	v4 =	vand.u32 $0x7F, v62;
	v8 =	vand.u32 $0xFFFFFC00, v18;
	v21 =	vand.u32 $0xFFFFC000, v20  }
0xa1: {  	v23 =	vand.u32 $0x380, v9;
	v9 =	vand.u32 $0xFFFFFC00, v25;
	v28 =	vand.u32 $0xFFFFC000, v27  }
0xa2: {  	v30 =	vand.u32 $0x380, v10;
	v10 =	vand.u32 $0xFFFFFC00, v32;
	v35 =	vand.u32 $0xFFFFC000, v34  }
0xa3: {  	v15 =	vld [tilespmem:$0x140];
	v37 =	vand.u32 $0x380, v11;
	v11 =	vand.u32 $0xFFFFFC00, v39;
	v42 =	vand.u32 $0xFFFFC000, v41  }
0xa4: {  	v22 =	vld [tilespmem:$0x150];
	v45 =	vand.u32 $0x380, v43;
	v50 =	vshll.u32 v40, $0x7;
	v0 =	vor.u32 v5, v0  }
0xa5: {  	v3 =	vor.u32 v7, v3;
	v5 =	vshll.u32 v54, $0xF;
	v7 =	vshll.u32 v60, $0xF  }
0xa6: {  	v0 =	vor.u32 v53, v0;
	v3 =	vor.u32 v59, v3;
	v1 =	vor.u32 v5, v1  }
0xa7: {  	v29 =	vld [tilespmem:$0x160];
	v4 =	vor.u32 v7, v4;
	v5 =	vand.u32 $0x7F, v17;
	v7 =	vand.u32 $0x7F, v24  }
0xa8: {  	v0 =	vor.u32 v2, v0;
	v1 =	vor.u32 v6, v1;
	v2 =	vor.u32 v61, v3  }
0xa9: {  	v4 =	vor.u32 v8, v4;
	v6 =	vshll.u32 v15, $0xF;
	v8 =	vshll.u32 v22, $0xF  }
0xaa: {  	v1 =	vor.u32 v14, v1;
	v4 =	vor.u32 v21, v4;
	v5 =	vor.u32 v6, v5  }
0xab: {  	v7 =	vor.u32 v8, v7;
	v6 =	vand.u32 $0x7F, v31;
	v1 =	vor.u32 v16, v1  }
0xac: {  	[tilespmem:$0x700] =	vst v0;
	v5 =	vor.u32 v9, v5;
	v3 =	vor.u32 v23, v4;
	v9 =	vshll.u32 v29, $0xF  }
0xad: {  	[tilespmem:$0x710] =	vst v2;
	v7 =	vor.u32 v10, v7;
	v5 =	vor.u32 v28, v5;
	v6 =	vor.u32 v9, v6  }
0xae: {  	v7 =	vor.u32 v35, v7;
	[tilespmem:$0x720] =	vst v1;
	v1 =	vor.u32 v46, v48;
	v6 =	vor.u32 v11, v6  }
0xaf: {  	[tilespmem:$0x730] =	vst v3;
	v4 =	vor.u32 v30, v5;
	v0 =	vor.u32 v42, v6;
	v6 =	vand.u32 $0xFFFFFC00, v47  }
0xb0: {  	v3 =	vand.u32 $0xFFFFC000, v49;
	v44 =	vor.u32 v37, v7;
	[tilespmem:$0x740] =	vst v4;
	v1 =	vor.u32 v6, v1  }
0xb1: {  	v51 =	vand.u32 $0x380, v50;
	[tilespmem:$0x750] =	vst v44;
	v0 =	vor.u32 v45, v0;
	v1 =	vor.u32 v3, v1  }
0xb2: {  	[tilespmem:$0x760] =	vst v0;
	v52 =	vor.u32 v51, v1  }
0xb3: {  	[tilespmem:$0x770] =	vst v52  }
0xb4: {  	[tilespmem:s21], [sflag:$0x2] =	stream.indirect.gather [hbm4b:s1+s15], $0x1, s20, s15, $0x2000b8;
	[tilespmem:$0xA00] =	vst v63  }
0xb5: {  	v53 =	vld [tilespmem:$0x180]  }
0xb6: {  	v54 =	vld [tilespmem:$0x380]  }
0xb7: {  	v55 =	vld [tilespmem:$0x580]  }
0xb8: {  	v56 =	vld [tilespmem:$0x190]  }
0xb9: {  	v57 =	vld [tilespmem:$0x390]  }
0xba: {  	v59 =	vld [tilespmem:$0x590]  }
0xbb: {  	v63 =	vld [tilespmem:$0x3A0]  }
0xbc: {  	v13 =	vld [tilespmem:$0x5A0]  }
0xbd: {  	v18 =	vld [tilespmem:$0x3B0]  }
0xbe: {  	v20 =	vld [tilespmem:$0x5B0]  }
0xbf: {  	v25 =	vld [tilespmem:$0x3C0]  }
0xc0: {  	v27 =	vld [tilespmem:$0x5C0]  }
0xc1: {  	v32 =	vld [tilespmem:$0x3D0]  }
0xc2: {  	v34 =	vld [tilespmem:$0x5D0]  }
0xc3: {  	v39 =	vld [tilespmem:$0x3E0];
	v0 =	vshll.u32 v53, $0xF;
	v58 =	vshll.u32 v54, $0x3  }
0xc4: {  	v41 =	vld [tilespmem:$0x5E0];
	v1 =	vand.u32 $0x7F, v54;
	v60 =	vshll.u32 v55, $0xB;
	v2 =	vshll.u32 v55, $0x7  }
0xc5: {  	v43 =	vld [tilespmem:$0x1F0];
	v3 =	vshll.u32 v56, $0xF;
	v12 =	vshll.u32 v57, $0x3;
	v4 =	vand.u32 $0x7F, v57  }
0xc6: {  	v44 =	vld [tilespmem:$0x3F0];
	v14 =	vshll.u32 v59, $0xB;
	v6 =	vshll.u32 v59, $0x7;
	v19 =	vshll.u32 v63, $0x3  }
0xc7: {  	v21 =	vshll.u32 v13, $0xB;
	v8 =	vshll.u32 v13, $0x7;
	v26 =	vshll.u32 v18, $0x3  }
0xc8: {  	v28 =	vshll.u32 v20, $0xB;
	v9 =	vshll.u32 v20, $0x7;
	v33 =	vshll.u32 v25, $0x3  }
0xc9: {  	v35 =	vshll.u32 v27, $0xB;
	v10 =	vshll.u32 v27, $0x7;
	v40 =	vshll.u32 v32, $0x3  }
0xca: {  	v42 =	vshll.u32 v34, $0xB;
	v11 =	vshll.u32 v34, $0x7;
	v46 =	vshll.u32 v39, $0x3  }
0xcb: {  	v48 =	vshll.u32 v41, $0xB;
	v52 =	vshll.u32 v43, $0xF;
	v53 =	vshll.u32 v44, $0x3  }
0xcc: {  	v54 =	vand.u32 $0x7F, v44;
	v57 =	vshll.u32 v41, $0x7;
	v5 =	vand.u32 $0xFFFFFC00, v58  }
0xcd: {  	v0 =	vor.u32 v0, v1;
	v61 =	vand.u32 $0xFFFFC000, v60;
	v2 =	vand.u32 $0x380, v2  }
0xce: {  	v7 =	vand.u32 $0xFFFFFC00, v12;
	v3 =	vor.u32 v3, v4;
	v15 =	vand.u32 $0xFFFFC000, v14  }
0xcf: {  	v62 =	vld [tilespmem:$0x1A0];
	v17 =	vand.u32 $0x380, v6;
	v1 =	vand.u32 $0x7F, v63;
	v6 =	vand.u32 $0xFFFFFC00, v19  }
0xd0: {  	v47 =	vld [tilespmem:$0x5F0];
	v22 =	vand.u32 $0xFFFFC000, v21;
	v24 =	vand.u32 $0x380, v8;
	v4 =	vand.u32 $0x7F, v18  }
0xd1: {  	v16 =	vld [tilespmem:$0x1B0];
	v8 =	vand.u32 $0xFFFFFC00, v26;
	v29 =	vand.u32 $0xFFFFC000, v28;
	v31 =	vand.u32 $0x380, v9  }
0xd2: {  	v9 =	vand.u32 $0xFFFFFC00, v33;
	v36 =	vand.u32 $0xFFFFC000, v35;
	v38 =	vand.u32 $0x380, v10  }
0xd3: {  	v10 =	vand.u32 $0xFFFFFC00, v40;
	v13 =	vand.u32 $0xFFFFC000, v42;
	v45 =	vand.u32 $0x380, v11  }
0xd4: {  	v11 =	vand.u32 $0xFFFFFC00, v46;
	v51 =	vand.u32 $0xFFFFC000, v48;
	v56 =	vand.u32 $0xFFFFFC00, v53  }
0xd5: {  	v23 =	vld [tilespmem:$0x1C0];
	v58 =	vshll.u32 v47, $0xB;
	v60 =	vshll.u32 v47, $0x7;
	v0 =	vor.u32 v5, v0  }
0xd6: {  	v30 =	vld [tilespmem:$0x1D0];
	v3 =	vor.u32 v7, v3;
	v5 =	vshll.u32 v62, $0xF;
	v7 =	vshll.u32 v16, $0xF  }
0xd7: {  	v59 =	vand.u32 $0xFFFFC000, v58;
	v62 =	vand.u32 $0x380, v60;
	v0 =	vor.u32 v61, v0  }
0xd8: {  	v3 =	vor.u32 v15, v3;
	v1 =	vor.u32 v5, v1;
	v4 =	vor.u32 v7, v4  }
0xd9: {  	v5 =	vand.u32 $0x7F, v25;
	v7 =	vand.u32 $0x7F, v32;
	v0 =	vor.u32 v2, v0  }
0xda: {  	v37 =	vld [tilespmem:$0x1E0];
	v1 =	vor.u32 v6, v1;
	v2 =	vor.u32 v17, v3;
	v4 =	vor.u32 v8, v4  }
0xdb: {  	v6 =	vshll.u32 v23, $0xF;
	v8 =	vshll.u32 v30, $0xF;
	v1 =	vor.u32 v22, v1  }
0xdc: {  	v4 =	vor.u32 v29, v4;
	v5 =	vor.u32 v6, v5;
	v7 =	vor.u32 v8, v7  }
0xdd: {  	v6 =	vand.u32 $0x7F, v39;
	[tilespmem:$0x790] =	vst v2;
	v2 =	vor.u32 v52, v54;
	v1 =	vor.u32 v24, v1  }
0xde: {  	[tilespmem:$0x780] =	vst v0;
	v5 =	vor.u32 v9, v5;
	v3 =	vor.u32 v31, v4;
	v7 =	vor.u32 v10, v7  }
0xdf: {  	v9 =	vshll.u32 v37, $0xF;
	v2 =	vor.u32 v56, v2;
	v5 =	vor.u32 v36, v5;
	[tilespmem:$0x7A0] =	vst v1  }
0xe0: {  	v7 =	vor.u32 v13, v7;
	v6 =	vor.u32 v9, v6;
	[tilespmem:$0x7B0] =	vst v3;
	v4 =	vor.u32 v38, v5  }
0xe1: {  	v2 =	vor.u32 v59, v2;
	v49 =	vor.u32 v45, v7;
	v50 =	vor.u32 v11, v6;
	[tilespmem:$0x7C0] =	vst v4  }
0xe2: {  	v3 =	vand.u32 $0x380, v57;
	v63 =	vor.u32 v62, v2;
	v55 =	vor.u32 v51, v50;
	[tilespmem:$0x7D0] =	vst v49  }
0xe3: {  	[tilespmem:$0x7F0] =	vst v63;
	v61 =	vor.u32 v3, v55  }
0xe4: {  	[tilespmem:$0x7E0] =	vst v61  }
0xe5: {  	[tilespmem:s23], [sflag:$0x2] =	stream.indirect.gather [hbm4b:s1+s15], $0x1, s22, s15, $0x2000b8;
	[tilespmem:$0xA00] =	vst v63  }
0xe6: {  	_ =	strace $0x90000049  }
0xe7: {  	_ =	strace $0x8000004A  }
0xe8: {  	_ =	swait.ge [sflag:s24], $0x80  }
0xe9: {  	[sflag:s24] =	ssyncset.done $0x0  }
0xea: {  	[sflag:s24] =	ssyncadd.s32 $0xFFFFFF80  }
0xeb: {  	[hbm4b:s6+s3] =	stream.linear.scatter [tilespmem:s17], [sflag:$0x1], $0x80, $0x200038;
	[tilespmem:$0xA00] =	vst v63  }
0xec: {  	_ =	swait.ge [sflag:s24], $0x80  }
0xed: {  	[sflag:s24] =	ssyncset.done $0x0  }
0xee: {  	[sflag:s24] =	ssyncadd.s32 $0xFFFFFF80  }
0xef: {  	[hbm4b:s8+s3] =	stream.linear.scatter [tilespmem:s19], [sflag:$0x1], $0x80, $0x200038;
	[tilespmem:$0xA00] =	vst v63  }
0xf0: {  	_ =	swait.ge [sflag:s24], $0x80  }
0xf1: {  	[sflag:s24] =	ssyncset.done $0x0  }
0xf2: {  	[sflag:s24] =	ssyncadd.s32 $0xFFFFFF80  }
0xf3: {  	[hbm4b:s9+s3] =	stream.linear.scatter [tilespmem:s21], [sflag:$0x1], $0x80, $0x200038;
	[tilespmem:$0xA00] =	vst v63  }
0xf4: {  	_ =	swait.ge [sflag:s24], $0x80  }
0xf5: {  	[sflag:s24] =	ssyncset.done $0x0  }
0xf6: {  	[sflag:s24] =	ssyncadd.s32 $0xFFFFFF80  }
0xf7: {  	[hbm4b:s10+s3] =	stream.linear.scatter [tilespmem:s23], [sflag:$0x1], $0x80, $0x200038;
	[tilespmem:$0xA00] =	vst v63  }
0xf8: {  	_ =	swait.ge [sflag:s14], $0x80  }
0xf9: {  	[sflag:s14] =	ssyncset.done $0x0  }
0xfa: {  	[sflag:s14] =	ssyncadd.s32 $0xFFFFFF80  }
0xfb: {  	_ =	swait.ge [sflag:s14], $0x80  }
0xfc: {  	[sflag:s14] =	ssyncset.done $0x0  }
0xfd: {  	[sflag:s14] =	ssyncadd.s32 $0xFFFFFF80  }
0xfe: {  	_ =	swait.ge [sflag:s14], $0x80  }
0xff: {  	p0 =	sne.s32 s11, $0x1;
	[sflag:s14] =	ssyncset.done $0x0  }
.Ltmp0:
0x100: {  	[sflag:s14] =	ssyncadd.s32 $0xFFFFFF80;
	(pc) =	sbr.rel @p0 .LBB2_1-.Ltmp0, $4  }
0x101: {  	_ =	swait.ge [sflag:s14], $0x80  }
0x102: {  	[sflag:s14] =	ssyncset.done $0x0  }
0x103: {  	[sflag:s14] =	ssyncadd.s32 $0xFFFFFF80  }
0x104: {  	s11 =	sadd.s32 $0xFFFFFFFF, s11;
	_ =	strace $0x9000004A  }
0x105: {  	_ =	sfence.sel $0x180000  }
0x106: {  	[bflag:$0x0] =	sbarrier.arrive $0xFFFF  }
0x107: {  	p0 =	sne.s32 s2, $0x0;
	_ =	strace $0x90000047  }
0x108: {  	s0 =	sadd.s32 @!p0 $0x100000, s0;
	[bflag:$0x2] =	sbarrier.arrive $0xFFFF  }
0x109: {  	[sflag:s0] =	ssyncadd.tile.s32 @!p0 $0x1;
	_ =	shalt  }
.Lfunc_end2:
_tile_overlayer_lowered:
.L_overlay_start_2:
0x10a: {  	(tag) =	ssettag $0x2  }
0x10b: {  	s0 =	rddreg [dreg:$0x0];
	s2 =	stileid.u32  }
0x10c: {  	s1 =	rddreg [dreg:$0x1];
	p0 =	sne.s32 s2, $0x0  }
0x10d: {  	s3 =	rddreg [dreg:$0x2];
	[bflag:$0x3] =	sbarrier.arrive $0xFFFF;
	s2 =	simm.s32 @!p0 $0x1C03  }
0x10e: {  	[timem:s3], [sflag:s2] =	dma.local @!p0 [hbm:s0], s1  }
0x10f: {  	s0 =	simm.s32 @!p0 $0x3  }
0x110: {  	_ =	swait.ge @!p0 [sflag:s0], s1  }
0x111: {  	s1 =	ssub.s32 @!p0 $0x0, s1;
	[sflag:s0] =	ssyncset.done @!p0 $0x0  }
0x112: {  	[sflag:s0] =	ssyncadd.s32 @!p0 s1  }
0x113: {  	[bflag:$0x3] =	sbarrier.arrive $0xFFFF  }
0x114: {  	_ =	shalt  }

</sc_bundles>
